<compile_context>
chip_gen: v7x
topology: tpu7x:2x2x1
jax: 0.10.2.dev20260603
libtpu: 0.0.44.dev20260713+nightly
codegen_flags: <defaults>
</compile_context>

<pallas_src>
import functools

import jax
import jax.numpy as jnp
from jax import lax
from jax.experimental import pallas as pl
from jax.experimental.pallas import tpu as pltpu
from jax.experimental.pallas import tpu_sc as plsc

_N = 16384
_K = 8192
_D = 256
_TN = 512


_SEG_BOUNDS = ((0, 2736), (2736, 5472), (5472, _K))


def _seg_cols(a, b):
    cols = []
    for c in range(a // 128, (b + 127) // 128):
        lo = max(a - c * 128, 0)
        hi = min(b - c * 128, 128)
        cols.append((c, lo, hi))
    return cols


def _argmin_body(x_ref, w_ref, a2_ref, b2_ref, out_ref):
    x = x_ref[...]
    mm = lax.dot_general(x, w_ref[...], (((1,), (1,)), ((), ())))
    d2 = a2_ref[...] + b2_ref[...] - 2.0 * mm
    dist = jnp.sqrt(jnp.maximum(d2, 0.0))
    lio = lax.broadcasted_iota(jnp.int32, (_TN, 128), 1)
    acc_v = None
    for a, b in _SEG_BOUNDS:
        cols = _seg_cols(a, b)
        seg = None
        for c, lo, hi in cols:
            d = dist[:, c * 128:(c + 1) * 128]
            if (lo, hi) != (0, 128):
                d = jnp.where((lio >= lo) & (lio < hi), d, jnp.inf)
            seg = d if seg is None else jnp.minimum(seg, d)
        v = jnp.min(seg, axis=1, keepdims=True)
        iacc = None
        for c, lo, hi in cols:
            d = dist[:, c * 128:(c + 1) * 128]
            cand = jnp.where(d == v, lio + c * 128, _K)
            if (lo, hi) != (0, 128):
                cand = jnp.where((lio >= lo) & (lio < hi), cand, _K)
            iacc = cand if iacc is None else jnp.minimum(iacc, cand)
        i = jnp.min(iacc, axis=1, keepdims=True)
        vr = v.astype(jnp.bfloat16).astype(jnp.float32)
        if acc_v is None:
            acc_v, acc_i = vr, i
        else:
            upd = v < acc_v
            acc_v = jnp.where(upd, vr, acc_v)
            acc_i = jnp.where(upd, i, acc_i)
    out_ref[...] = acc_i[:, 0].astype(jnp.int32)


def _argmin_tc(flat, W, a2, b2):
    grid = (_N // _TN,)
    return pl.pallas_call(
        _argmin_body,
        grid=grid,
        in_specs=[
            pl.BlockSpec((_TN, _D), lambda i: (i, 0)),
            pl.BlockSpec((_K, _D), lambda i: (0, 0)),
            pl.BlockSpec((_TN, 1), lambda i: (i, 0)),
            pl.BlockSpec((1, _K), lambda i: (0, 0)),
        ],
        out_specs=pl.BlockSpec((_TN,), lambda i: (i,)),
        out_shape=jax.ShapeDtypeStruct((_N,), jnp.int32),
    )(flat, W, a2, b2)


def _gather_sc(W, idx):
    info = plsc.get_sparse_core_info()
    nw = info.num_cores * info.num_subcores
    per_w = _N // nw
    ch = 128
    n_ch = per_w // ch
    mesh = plsc.VectorSubcoreMesh(core_axis_name="c", subcore_axis_name="s")

    @functools.partial(
        pl.kernel,
        mesh=mesh,
        out_type=jax.ShapeDtypeStruct((_N, _D), jnp.float32),
        scratch_types=[
            pltpu.VMEM((ch,), jnp.int32),
            pltpu.VMEM((ch, _D), jnp.float32),
            pltpu.SemaphoreType.DMA,
        ],
    )
    def k(table_hbm, idx_hbm, out_hbm, idx_v, rows_v, sem):
        wid = lax.axis_index("s") * info.num_cores + lax.axis_index("c")
        base = wid * per_w
        for i in range(n_ch):
            off = base + i * ch
            pltpu.sync_copy(idx_hbm.at[pl.ds(off, ch)], idx_v)
            pltpu.async_copy(table_hbm.at[idx_v], rows_v, sem).wait()
            pltpu.sync_copy(rows_v, out_hbm.at[pl.ds(off, ch)])

    return k(W, idx)


def kernel(inp, W):
    flat = inp.reshape(-1, _D)
    a2 = jnp.sum(flat * flat, axis=1, keepdims=True)
    b2 = jnp.sum(W * W, axis=1)[None, :]
    idx = _argmin_tc(flat, W, a2, b2)
    rows = _gather_sc(W, idx)
    return rows.reshape(inp.shape)

# --- scband reference (transcript-rebuilt; emitter-appended) ---
"""Pipeline reference for scband-bag-of-concepts-9758165696696 (READ-ONLY COPY).

The authoritative reference and input builder live on the scoring server;
editing this copy changes nothing except your own understanding.
"""

import jax, jax.numpy as jnp
import numpy as np

NUM_CONCEPTS = 8192
CONCEPT_DIM = 256

def setup_inputs(seed: int = 0) -> dict:
    key = jax.random.key(seed)
    k1, k2 = jax.random.split(key)
    inp = jax.random.normal(k1, (16, 1024, CONCEPT_DIM), dtype=jnp.float32)
    bound = 1.0 / NUM_CONCEPTS
    W = jax.random.uniform(k2, (NUM_CONCEPTS, CONCEPT_DIM), dtype=jnp.float32, minval=-bound, maxval=bound)
    return {"inp": inp, "W": W}

def reference(inp, W):
    # flatten to (N, concept_dim)
    flat = inp.reshape(-1, CONCEPT_DIM)
    # torch.cdist (p=2, Euclidean) via expanded squared-distance + sqrt
    a2 = jnp.sum(flat * flat, axis=1, keepdims=True)          # (N, 1)
    b2 = jnp.sum(W * W, axis=1)[None, :]                      # (1, K)
    d2 = a2 + b2 - 2.0 * (flat @ W.T)                         # (N, K)
    distances = jnp.sqrt(jnp.maximum(d2, 0.0))
    encoding_indices = jnp.argmin(distances, axis=1)          # (N,)
    quantized_flat = jnp.take(W, encoding_indices, axis=0)    # gather rows of codebook
    quantized = quantized_flat.reshape(inp.shape)
    return quantized

if __name__ == "__main__":
    import jax
    _d = setup_inputs()
    print(jax.jit(kernel)(*tuple(_d.values())))

</pallas_src>

<mosaic_0001>
#map = affine_map<(d0, d1) -> (0, 0)>
#map1 = affine_map<(d0, d1) -> (0)>
module attributes {stable_mosaic.version = 14 : i64} {
  func.func @k(%arg0: i32, %arg1: i32, %arg2: memref<8192x256xf32, #tpu.memory_space<hbm>>, %arg3: memref<16384xi32, #tpu.memory_space<hbm>>, %arg4: memref<16384x256xf32, #tpu.memory_space<hbm>>, %arg5: memref<128xi32, #tpu.memory_space<vmem>>, %arg6: memref<128x256xf32, #tpu.memory_space<vmem>>, %arg7: memref<!tpu.dma_semaphore, #tpu.memory_space<semaphore_mem>>) attributes {dimension_semantics = [#tpu.dimension_semantics<core_parallel>, #tpu.dimension_semantics<subcore_parallel>], iteration_bounds = array<i64: 2, 16>, scalar_prefetch = 0 : i64, scratch_operands = 3 : i64, tpu.core_type = #tpu.core_type<sc_vector_subcore>, window_params = [{transform_indices = #map}, {transform_indices = #map1}, {transform_indices = #map}]} {
    %mul3A = arith.constant 2 : i32
    %mul3A_0 = arith.muli %arg1, %mul3A : i32
    %add3A = arith.addi %mul3A_0, %arg0 : i32
    %mul3A_1 = arith.constant 512 : i32
    %mul3A_2 = arith.muli %add3A, %mul3A_1 : i32
    %add3A_3 = arith.constant 0 : i32
    %add3A_4 = arith.addi %mul3A_2, %add3A_3 : i32
    "tpu.region"() ({
      %run_scoped3A = tpu.sem_alloc : memref<!tpu.dma_semaphore, #tpu.memory_space<semaphore_mem>>
      %dma_start3A_33 = tpu.memref_slice %arg3[%add3A_4] : memref<16384xi32, #tpu.memory_space<hbm>> -> memref<128xi32, #tpu.memory_space<hbm>>
      %dma_start3A_34 = tpu.memref_slice %arg3[%add3A_4] : memref<16384xi32, #tpu.memory_space<hbm>> -> memref<128xi32, #tpu.memory_space<hbm>>
      tpu.enqueue_dma source(%dma_start3A_34 : memref<128xi32, #tpu.memory_space<hbm>>) target(%arg5 : memref<128xi32, #tpu.memory_space<vmem>>) target_semaphore(%run_scoped3A : memref<!tpu.dma_semaphore, #tpu.memory_space<semaphore_mem>>)
      %dma_wait3A_35 = tpu.memref_slice %arg3[%add3A_4] : memref<16384xi32, #tpu.memory_space<hbm>> -> memref<128xi32, #tpu.memory_space<hbm>>
      %dma_wait3A_36 = tpu.memref_slice %arg3[%add3A_4] : memref<16384xi32, #tpu.memory_space<hbm>> -> memref<128xi32, #tpu.memory_space<hbm>>
      tpu.wait_dma2 semaphore(%run_scoped3A : memref<!tpu.dma_semaphore, #tpu.memory_space<semaphore_mem>>) src(%dma_wait3A_36 : memref<128xi32, #tpu.memory_space<hbm>>) dst(%arg5 : memref<128xi32, #tpu.memory_space<vmem>>)
      tpu.yield
    }) : () -> ()
    %dma_start3A = arith.constant 0 : i32
    %dma_start3A_5 = arith.constant 0 : i32
    %dma_start3A_6 = tpu.memref_slice %arg2[%dma_start3A, %dma_start3A_5] : memref<8192x256xf32, #tpu.memory_space<hbm>> -> memref<8192x256xf32, #tpu.memory_space<hbm>>
    tpu.enqueue_indirect_dma source(%dma_start3A_6 : memref<8192x256xf32, #tpu.memory_space<hbm>>) target(%arg6 : memref<128x256xf32, #tpu.memory_space<vmem>>) offsets(%arg5 : memref<128xi32, #tpu.memory_space<vmem>>) semaphore(%arg7 : memref<!tpu.dma_semaphore, #tpu.memory_space<semaphore_mem>>)
    %dma_wait3A = arith.constant 0 : i32
    %dma_wait3A_7 = arith.constant 0 : i32
    %dma_wait3A_8 = tpu.memref_slice %arg2[%dma_wait3A, %dma_wait3A_7] : memref<8192x256xf32, #tpu.memory_space<hbm>> -> memref<8192x256xf32, #tpu.memory_space<hbm>>
    tpu.wait_indirect_dma semaphore(%arg7 : memref<!tpu.dma_semaphore, #tpu.memory_space<semaphore_mem>>) src(%dma_wait3A_8 : memref<8192x256xf32, #tpu.memory_space<hbm>>) dst(%arg6 : memref<128x256xf32, #tpu.memory_space<vmem>>)
    "tpu.region"() ({
      %run_scoped3A = tpu.sem_alloc : memref<!tpu.dma_semaphore, #tpu.memory_space<semaphore_mem>>
      %dma_start3A_33 = arith.constant 0 : i32
      %dma_start3A_34 = tpu.memref_slice %arg4[%add3A_4, %dma_start3A_33] : memref<16384x256xf32, #tpu.memory_space<hbm>> -> memref<128x256xf32, #tpu.memory_space<hbm>>
      %dma_start3A_35 = arith.constant 0 : i32
      %dma_start3A_36 = tpu.memref_slice %arg4[%add3A_4, %dma_start3A_35] : memref<16384x256xf32, #tpu.memory_space<hbm>> -> memref<128x256xf32, #tpu.memory_space<hbm>>
      tpu.enqueue_dma source(%arg6 : memref<128x256xf32, #tpu.memory_space<vmem>>) target(%dma_start3A_36 : memref<128x256xf32, #tpu.memory_space<hbm>>) target_semaphore(%run_scoped3A : memref<!tpu.dma_semaphore, #tpu.memory_space<semaphore_mem>>)
      %dma_wait3A_37 = arith.constant 0 : i32
      %dma_wait3A_38 = tpu.memref_slice %arg4[%add3A_4, %dma_wait3A_37] : memref<16384x256xf32, #tpu.memory_space<hbm>> -> memref<128x256xf32, #tpu.memory_space<hbm>>
      %dma_wait3A_39 = arith.constant 0 : i32
      %dma_wait3A_40 = tpu.memref_slice %arg4[%add3A_4, %dma_wait3A_39] : memref<16384x256xf32, #tpu.memory_space<hbm>> -> memref<128x256xf32, #tpu.memory_space<hbm>>
      tpu.wait_dma2 semaphore(%run_scoped3A : memref<!tpu.dma_semaphore, #tpu.memory_space<semaphore_mem>>) src(%arg6 : memref<128x256xf32, #tpu.memory_space<vmem>>) dst(%dma_wait3A_40 : memref<128x256xf32, #tpu.memory_space<hbm>>)
      tpu.yield
    }) : () -> ()
    %add3A_9 = arith.constant 128 : i32
    %add3A_10 = arith.addi %mul3A_2, %add3A_9 : i32
    "tpu.region"() ({
      %run_scoped3A = tpu.sem_alloc : memref<!tpu.dma_semaphore, #tpu.memory_space<semaphore_mem>>
      %dma_start3A_33 = tpu.memref_slice %arg3[%add3A_10] : memref<16384xi32, #tpu.memory_space<hbm>> -> memref<128xi32, #tpu.memory_space<hbm>>
      %dma_start3A_34 = tpu.memref_slice %arg3[%add3A_10] : memref<16384xi32, #tpu.memory_space<hbm>> -> memref<128xi32, #tpu.memory_space<hbm>>
      tpu.enqueue_dma source(%dma_start3A_34 : memref<128xi32, #tpu.memory_space<hbm>>) target(%arg5 : memref<128xi32, #tpu.memory_space<vmem>>) target_semaphore(%run_scoped3A : memref<!tpu.dma_semaphore, #tpu.memory_space<semaphore_mem>>)
      %dma_wait3A_35 = tpu.memref_slice %arg3[%add3A_10] : memref<16384xi32, #tpu.memory_space<hbm>> -> memref<128xi32, #tpu.memory_space<hbm>>
      %dma_wait3A_36 = tpu.memref_slice %arg3[%add3A_10] : memref<16384xi32, #tpu.memory_space<hbm>> -> memref<128xi32, #tpu.memory_space<hbm>>
      tpu.wait_dma2 semaphore(%run_scoped3A : memref<!tpu.dma_semaphore, #tpu.memory_space<semaphore_mem>>) src(%dma_wait3A_36 : memref<128xi32, #tpu.memory_space<hbm>>) dst(%arg5 : memref<128xi32, #tpu.memory_space<vmem>>)
      tpu.yield
    }) : () -> ()
    %dma_start3A_11 = arith.constant 0 : i32
    %dma_start3A_12 = arith.constant 0 : i32
    %dma_start3A_13 = tpu.memref_slice %arg2[%dma_start3A_11, %dma_start3A_12] : memref<8192x256xf32, #tpu.memory_space<hbm>> -> memref<8192x256xf32, #tpu.memory_space<hbm>>
    tpu.enqueue_indirect_dma source(%dma_start3A_13 : memref<8192x256xf32, #tpu.memory_space<hbm>>) target(%arg6 : memref<128x256xf32, #tpu.memory_space<vmem>>) offsets(%arg5 : memref<128xi32, #tpu.memory_space<vmem>>) semaphore(%arg7 : memref<!tpu.dma_semaphore, #tpu.memory_space<semaphore_mem>>)
    %dma_wait3A_14 = arith.constant 0 : i32
    %dma_wait3A_15 = arith.constant 0 : i32
    %dma_wait3A_16 = tpu.memref_slice %arg2[%dma_wait3A_14, %dma_wait3A_15] : memref<8192x256xf32, #tpu.memory_space<hbm>> -> memref<8192x256xf32, #tpu.memory_space<hbm>>
    tpu.wait_indirect_dma semaphore(%arg7 : memref<!tpu.dma_semaphore, #tpu.memory_space<semaphore_mem>>) src(%dma_wait3A_16 : memref<8192x256xf32, #tpu.memory_space<hbm>>) dst(%arg6 : memref<128x256xf32, #tpu.memory_space<vmem>>)
    "tpu.region"() ({
      %run_scoped3A = tpu.sem_alloc : memref<!tpu.dma_semaphore, #tpu.memory_space<semaphore_mem>>
      %dma_start3A_33 = arith.constant 0 : i32
      %dma_start3A_34 = tpu.memref_slice %arg4[%add3A_10, %dma_start3A_33] : memref<16384x256xf32, #tpu.memory_space<hbm>> -> memref<128x256xf32, #tpu.memory_space<hbm>>
      %dma_start3A_35 = arith.constant 0 : i32
      %dma_start3A_36 = tpu.memref_slice %arg4[%add3A_10, %dma_start3A_35] : memref<16384x256xf32, #tpu.memory_space<hbm>> -> memref<128x256xf32, #tpu.memory_space<hbm>>
      tpu.enqueue_dma source(%arg6 : memref<128x256xf32, #tpu.memory_space<vmem>>) target(%dma_start3A_36 : memref<128x256xf32, #tpu.memory_space<hbm>>) target_semaphore(%run_scoped3A : memref<!tpu.dma_semaphore, #tpu.memory_space<semaphore_mem>>)
      %dma_wait3A_37 = arith.constant 0 : i32
      %dma_wait3A_38 = tpu.memref_slice %arg4[%add3A_10, %dma_wait3A_37] : memref<16384x256xf32, #tpu.memory_space<hbm>> -> memref<128x256xf32, #tpu.memory_space<hbm>>
      %dma_wait3A_39 = arith.constant 0 : i32
      %dma_wait3A_40 = tpu.memref_slice %arg4[%add3A_10, %dma_wait3A_39] : memref<16384x256xf32, #tpu.memory_space<hbm>> -> memref<128x256xf32, #tpu.memory_space<hbm>>
      tpu.wait_dma2 semaphore(%run_scoped3A : memref<!tpu.dma_semaphore, #tpu.memory_space<semaphore_mem>>) src(%arg6 : memref<128x256xf32, #tpu.memory_space<vmem>>) dst(%dma_wait3A_40 : memref<128x256xf32, #tpu.memory_space<hbm>>)
      tpu.yield
    }) : () -> ()
    %add3A_17 = arith.constant 256 : i32
    %add3A_18 = arith.addi %mul3A_2, %add3A_17 : i32
    "tpu.region"() ({
      %run_scoped3A = tpu.sem_alloc : memref<!tpu.dma_semaphore, #tpu.memory_space<semaphore_mem>>
      %dma_start3A_33 = tpu.memref_slice %arg3[%add3A_18] : memref<16384xi32, #tpu.memory_space<hbm>> -> memref<128xi32, #tpu.memory_space<hbm>>
      %dma_start3A_34 = tpu.memref_slice %arg3[%add3A_18] : memref<16384xi32, #tpu.memory_space<hbm>> -> memref<128xi32, #tpu.memory_space<hbm>>
      tpu.enqueue_dma source(%dma_start3A_34 : memref<128xi32, #tpu.memory_space<hbm>>) target(%arg5 : memref<128xi32, #tpu.memory_space<vmem>>) target_semaphore(%run_scoped3A : memref<!tpu.dma_semaphore, #tpu.memory_space<semaphore_mem>>)
      %dma_wait3A_35 = tpu.memref_slice %arg3[%add3A_18] : memref<16384xi32, #tpu.memory_space<hbm>> -> memref<128xi32, #tpu.memory_space<hbm>>
      %dma_wait3A_36 = tpu.memref_slice %arg3[%add3A_18] : memref<16384xi32, #tpu.memory_space<hbm>> -> memref<128xi32, #tpu.memory_space<hbm>>
      tpu.wait_dma2 semaphore(%run_scoped3A : memref<!tpu.dma_semaphore, #tpu.memory_space<semaphore_mem>>) src(%dma_wait3A_36 : memref<128xi32, #tpu.memory_space<hbm>>) dst(%arg5 : memref<128xi32, #tpu.memory_space<vmem>>)
      tpu.yield
    }) : () -> ()
    %dma_start3A_19 = arith.constant 0 : i32
    %dma_start3A_20 = arith.constant 0 : i32
    %dma_start3A_21 = tpu.memref_slice %arg2[%dma_start3A_19, %dma_start3A_20] : memref<8192x256xf32, #tpu.memory_space<hbm>> -> memref<8192x256xf32, #tpu.memory_space<hbm>>
    tpu.enqueue_indirect_dma source(%dma_start3A_21 : memref<8192x256xf32, #tpu.memory_space<hbm>>) target(%arg6 : memref<128x256xf32, #tpu.memory_space<vmem>>) offsets(%arg5 : memref<128xi32, #tpu.memory_space<vmem>>) semaphore(%arg7 : memref<!tpu.dma_semaphore, #tpu.memory_space<semaphore_mem>>)
    %dma_wait3A_22 = arith.constant 0 : i32
    %dma_wait3A_23 = arith.constant 0 : i32
    %dma_wait3A_24 = tpu.memref_slice %arg2[%dma_wait3A_22, %dma_wait3A_23] : memref<8192x256xf32, #tpu.memory_space<hbm>> -> memref<8192x256xf32, #tpu.memory_space<hbm>>
    tpu.wait_indirect_dma semaphore(%arg7 : memref<!tpu.dma_semaphore, #tpu.memory_space<semaphore_mem>>) src(%dma_wait3A_24 : memref<8192x256xf32, #tpu.memory_space<hbm>>) dst(%arg6 : memref<128x256xf32, #tpu.memory_space<vmem>>)
    "tpu.region"() ({
      %run_scoped3A = tpu.sem_alloc : memref<!tpu.dma_semaphore, #tpu.memory_space<semaphore_mem>>
      %dma_start3A_33 = arith.constant 0 : i32
      %dma_start3A_34 = tpu.memref_slice %arg4[%add3A_18, %dma_start3A_33] : memref<16384x256xf32, #tpu.memory_space<hbm>> -> memref<128x256xf32, #tpu.memory_space<hbm>>
      %dma_start3A_35 = arith.constant 0 : i32
      %dma_start3A_36 = tpu.memref_slice %arg4[%add3A_18, %dma_start3A_35] : memref<16384x256xf32, #tpu.memory_space<hbm>> -> memref<128x256xf32, #tpu.memory_space<hbm>>
      tpu.enqueue_dma source(%arg6 : memref<128x256xf32, #tpu.memory_space<vmem>>) target(%dma_start3A_36 : memref<128x256xf32, #tpu.memory_space<hbm>>) target_semaphore(%run_scoped3A : memref<!tpu.dma_semaphore, #tpu.memory_space<semaphore_mem>>)
      %dma_wait3A_37 = arith.constant 0 : i32
      %dma_wait3A_38 = tpu.memref_slice %arg4[%add3A_18, %dma_wait3A_37] : memref<16384x256xf32, #tpu.memory_space<hbm>> -> memref<128x256xf32, #tpu.memory_space<hbm>>
      %dma_wait3A_39 = arith.constant 0 : i32
      %dma_wait3A_40 = tpu.memref_slice %arg4[%add3A_18, %dma_wait3A_39] : memref<16384x256xf32, #tpu.memory_space<hbm>> -> memref<128x256xf32, #tpu.memory_space<hbm>>
      tpu.wait_dma2 semaphore(%run_scoped3A : memref<!tpu.dma_semaphore, #tpu.memory_space<semaphore_mem>>) src(%arg6 : memref<128x256xf32, #tpu.memory_space<vmem>>) dst(%dma_wait3A_40 : memref<128x256xf32, #tpu.memory_space<hbm>>)
      tpu.yield
    }) : () -> ()
    %add3A_25 = arith.constant 384 : i32
    %add3A_26 = arith.addi %mul3A_2, %add3A_25 : i32
    "tpu.region"() ({
      %run_scoped3A = tpu.sem_alloc : memref<!tpu.dma_semaphore, #tpu.memory_space<semaphore_mem>>
      %dma_start3A_33 = tpu.memref_slice %arg3[%add3A_26] : memref<16384xi32, #tpu.memory_space<hbm>> -> memref<128xi32, #tpu.memory_space<hbm>>
      %dma_start3A_34 = tpu.memref_slice %arg3[%add3A_26] : memref<16384xi32, #tpu.memory_space<hbm>> -> memref<128xi32, #tpu.memory_space<hbm>>
      tpu.enqueue_dma source(%dma_start3A_34 : memref<128xi32, #tpu.memory_space<hbm>>) target(%arg5 : memref<128xi32, #tpu.memory_space<vmem>>) target_semaphore(%run_scoped3A : memref<!tpu.dma_semaphore, #tpu.memory_space<semaphore_mem>>)
      %dma_wait3A_35 = tpu.memref_slice %arg3[%add3A_26] : memref<16384xi32, #tpu.memory_space<hbm>> -> memref<128xi32, #tpu.memory_space<hbm>>
      %dma_wait3A_36 = tpu.memref_slice %arg3[%add3A_26] : memref<16384xi32, #tpu.memory_space<hbm>> -> memref<128xi32, #tpu.memory_space<hbm>>
      tpu.wait_dma2 semaphore(%run_scoped3A : memref<!tpu.dma_semaphore, #tpu.memory_space<semaphore_mem>>) src(%dma_wait3A_36 : memref<128xi32, #tpu.memory_space<hbm>>) dst(%arg5 : memref<128xi32, #tpu.memory_space<vmem>>)
      tpu.yield
    }) : () -> ()
    %dma_start3A_27 = arith.constant 0 : i32
    %dma_start3A_28 = arith.constant 0 : i32
    %dma_start3A_29 = tpu.memref_slice %arg2[%dma_start3A_27, %dma_start3A_28] : memref<8192x256xf32, #tpu.memory_space<hbm>> -> memref<8192x256xf32, #tpu.memory_space<hbm>>
    tpu.enqueue_indirect_dma source(%dma_start3A_29 : memref<8192x256xf32, #tpu.memory_space<hbm>>) target(%arg6 : memref<128x256xf32, #tpu.memory_space<vmem>>) offsets(%arg5 : memref<128xi32, #tpu.memory_space<vmem>>) semaphore(%arg7 : memref<!tpu.dma_semaphore, #tpu.memory_space<semaphore_mem>>)
    %dma_wait3A_30 = arith.constant 0 : i32
    %dma_wait3A_31 = arith.constant 0 : i32
    %dma_wait3A_32 = tpu.memref_slice %arg2[%dma_wait3A_30, %dma_wait3A_31] : memref<8192x256xf32, #tpu.memory_space<hbm>> -> memref<8192x256xf32, #tpu.memory_space<hbm>>
    tpu.wait_indirect_dma semaphore(%arg7 : memref<!tpu.dma_semaphore, #tpu.memory_space<semaphore_mem>>) src(%dma_wait3A_32 : memref<8192x256xf32, #tpu.memory_space<hbm>>) dst(%arg6 : memref<128x256xf32, #tpu.memory_space<vmem>>)
    "tpu.region"() ({
      %run_scoped3A = tpu.sem_alloc : memref<!tpu.dma_semaphore, #tpu.memory_space<semaphore_mem>>
      %dma_start3A_33 = arith.constant 0 : i32
      %dma_start3A_34 = tpu.memref_slice %arg4[%add3A_26, %dma_start3A_33] : memref<16384x256xf32, #tpu.memory_space<hbm>> -> memref<128x256xf32, #tpu.memory_space<hbm>>
      %dma_start3A_35 = arith.constant 0 : i32
      %dma_start3A_36 = tpu.memref_slice %arg4[%add3A_26, %dma_start3A_35] : memref<16384x256xf32, #tpu.memory_space<hbm>> -> memref<128x256xf32, #tpu.memory_space<hbm>>
      tpu.enqueue_dma source(%arg6 : memref<128x256xf32, #tpu.memory_space<vmem>>) target(%dma_start3A_36 : memref<128x256xf32, #tpu.memory_space<hbm>>) target_semaphore(%run_scoped3A : memref<!tpu.dma_semaphore, #tpu.memory_space<semaphore_mem>>)
      %dma_wait3A_37 = arith.constant 0 : i32
      %dma_wait3A_38 = tpu.memref_slice %arg4[%add3A_26, %dma_wait3A_37] : memref<16384x256xf32, #tpu.memory_space<hbm>> -> memref<128x256xf32, #tpu.memory_space<hbm>>
      %dma_wait3A_39 = arith.constant 0 : i32
      %dma_wait3A_40 = tpu.memref_slice %arg4[%add3A_26, %dma_wait3A_39] : memref<16384x256xf32, #tpu.memory_space<hbm>> -> memref<128x256xf32, #tpu.memory_space<hbm>>
      tpu.wait_dma2 semaphore(%run_scoped3A : memref<!tpu.dma_semaphore, #tpu.memory_space<semaphore_mem>>) src(%arg6 : memref<128x256xf32, #tpu.memory_space<vmem>>) dst(%dma_wait3A_40 : memref<128x256xf32, #tpu.memory_space<hbm>>)
      tpu.yield
    }) : () -> ()
    return
  }
}

module attributes {stable_mosaic.version = 14 : i64} {
  func.func @_argmin_body(%arg0: i32, %arg1: memref<512x256xf32, #tpu.memory_space<vmem>>, %arg2: memref<8192x256xf32, #tpu.memory_space<vmem>>, %arg3: memref<512x1xf32, #tpu.memory_space<vmem>>, %arg4: memref<1x8192xf32, #tpu.memory_space<vmem>>, %arg5: memref<512xi32, #tpu.memory_space<vmem>>) attributes {dimension_semantics = [#tpu.dimension_semantics<arbitrary>], iteration_bounds = array<i64: 32>, scalar_prefetch = 0 : i64, scratch_operands = 0 : i64, tpu.core_type = #tpu.core_type<tc>, window_params = [{transform_indices = @transform_0, window_bounds = array<i64: 512, 256>}, {pipeline_mode = #tpu.pipeline_mode<synchronous>, transform_indices = @transform_1, window_bounds = array<i64: 8192, 256>}, {transform_indices = @transform_2, window_bounds = array<i64: 512, 1>}, {pipeline_mode = #tpu.pipeline_mode<synchronous>, transform_indices = @transform_3, window_bounds = array<i64: 1, 8192>}, {transform_indices = @transform_4, window_bounds = array<i64: 512>}]} {
    %get3A = arith.constant 0 : index
    %get3A_0 = arith.constant 0 : index
    %get3A_1 = vector.load %arg1[%get3A, %get3A_0] : memref<512x256xf32, #tpu.memory_space<vmem>>, vector<512x256xf32>
    %get3A_2 = arith.constant 0 : index
    %get3A_3 = arith.constant 0 : index
    %get3A_4 = vector.load %arg2[%get3A_2, %get3A_3] : memref<8192x256xf32, #tpu.memory_space<vmem>>, vector<8192x256xf32>
    %dot_general3A = arith.constant dense<0.000000e+00> : vector<512x8192xf32>
    %dot_general3A_5 = tpu.matmul %get3A_1, %get3A_4, %dot_general3A {dimension_numbers = #tpu.dot_dimension_numbers<[1], [1], [0], [0], [0, 0, 1, 0], [], []>, transpose_lhs_hint = false} : vector<512x256xf32>, vector<8192x256xf32>, vector<512x8192xf32> -> vector<512x8192xf32>
    %get3A_6 = arith.constant 0 : index
    %get3A_7 = arith.constant 0 : index
    %get3A_8 = vector.load %arg3[%get3A_6, %get3A_7] : memref<512x1xf32, #tpu.memory_space<vmem>>, vector<512x1xf32>
    %get3A_9 = arith.constant 0 : index
    %get3A_10 = arith.constant 0 : index
    %get3A_11 = vector.load %arg4[%get3A_9, %get3A_10] : memref<1x8192xf32, #tpu.memory_space<vmem>>, vector<1x8192xf32>
    %add3A = vector.broadcast %get3A_8 : vector<512x1xf32> to vector<512x8192xf32>
    %add3A_12 = vector.broadcast %get3A_11 : vector<1x8192xf32> to vector<512x8192xf32>
    %add3A_13 = arith.addf %add3A, %add3A_12 : vector<512x8192xf32>
    %mul3A = arith.constant 2.000000e+00 : f32
    %mul3A_14 = vector.broadcast %mul3A : f32 to vector<512x8192xf32>
    %mul3A_15 = arith.mulf %mul3A_14, %dot_general3A_5 : vector<512x8192xf32>
    %sub3A = arith.subf %add3A_13, %mul3A_15 : vector<512x8192xf32>
    %max3A = arith.constant 0.000000e+00 : f32
    %max3A_16 = vector.broadcast %max3A : f32 to vector<512x8192xf32>
    %max3A_17 = arith.maximumf %sub3A, %max3A_16 : vector<512x8192xf32>
    %sqrt3A = math.sqrt %max3A_17 : vector<512x8192xf32>
    %iota3A = tpu.iota {dimensions = array<i32: 1>} : vector<512x128xi32>
    %slice3A = vector.extract_strided_slice %sqrt3A {offsets = [0, 0], sizes = [512, 128], strides = [1, 1]} : vector<512x8192xf32> to vector<512x128xf32>
    %slice3A_18 = vector.extract_strided_slice %sqrt3A {offsets = [0, 128], sizes = [512, 128], strides = [1, 1]} : vector<512x8192xf32> to vector<512x128xf32>
    %min3A = arith.minimumf %slice3A, %slice3A_18 : vector<512x128xf32>
    %slice3A_19 = vector.extract_strided_slice %sqrt3A {offsets = [0, 256], sizes = [512, 128], strides = [1, 1]} : vector<512x8192xf32> to vector<512x128xf32>
    %min3A_20 = arith.minimumf %min3A, %slice3A_19 : vector<512x128xf32>
    %slice3A_21 = vector.extract_strided_slice %sqrt3A {offsets = [0, 384], sizes = [512, 128], strides = [1, 1]} : vector<512x8192xf32> to vector<512x128xf32>
    %min3A_22 = arith.minimumf %min3A_20, %slice3A_21 : vector<512x128xf32>
    %slice3A_23 = vector.extract_strided_slice %sqrt3A {offsets = [0, 512], sizes = [512, 128], strides = [1, 1]} : vector<512x8192xf32> to vector<512x128xf32>
    %min3A_24 = arith.minimumf %min3A_22, %slice3A_23 : vector<512x128xf32>
    %slice3A_25 = vector.extract_strided_slice %sqrt3A {offsets = [0, 640], sizes = [512, 128], strides = [1, 1]} : vector<512x8192xf32> to vector<512x128xf32>
    %min3A_26 = arith.minimumf %min3A_24, %slice3A_25 : vector<512x128xf32>
    %slice3A_27 = vector.extract_strided_slice %sqrt3A {offsets = [0, 768], sizes = [512, 128], strides = [1, 1]} : vector<512x8192xf32> to vector<512x128xf32>
    %min3A_28 = arith.minimumf %min3A_26, %slice3A_27 : vector<512x128xf32>
    %slice3A_29 = vector.extract_strided_slice %sqrt3A {offsets = [0, 896], sizes = [512, 128], strides = [1, 1]} : vector<512x8192xf32> to vector<512x128xf32>
    %min3A_30 = arith.minimumf %min3A_28, %slice3A_29 : vector<512x128xf32>
    %slice3A_31 = vector.extract_strided_slice %sqrt3A {offsets = [0, 1024], sizes = [512, 128], strides = [1, 1]} : vector<512x8192xf32> to vector<512x128xf32>
    %min3A_32 = arith.minimumf %min3A_30, %slice3A_31 : vector<512x128xf32>
    %slice3A_33 = vector.extract_strided_slice %sqrt3A {offsets = [0, 1152], sizes = [512, 128], strides = [1, 1]} : vector<512x8192xf32> to vector<512x128xf32>
    %min3A_34 = arith.minimumf %min3A_32, %slice3A_33 : vector<512x128xf32>
    %slice3A_35 = vector.extract_strided_slice %sqrt3A {offsets = [0, 1280], sizes = [512, 128], strides = [1, 1]} : vector<512x8192xf32> to vector<512x128xf32>
    %min3A_36 = arith.minimumf %min3A_34, %slice3A_35 : vector<512x128xf32>
    %slice3A_37 = vector.extract_strided_slice %sqrt3A {offsets = [0, 1408], sizes = [512, 128], strides = [1, 1]} : vector<512x8192xf32> to vector<512x128xf32>
    %min3A_38 = arith.minimumf %min3A_36, %slice3A_37 : vector<512x128xf32>
    %slice3A_39 = vector.extract_strided_slice %sqrt3A {offsets = [0, 1536], sizes = [512, 128], strides = [1, 1]} : vector<512x8192xf32> to vector<512x128xf32>
    %min3A_40 = arith.minimumf %min3A_38, %slice3A_39 : vector<512x128xf32>
    %slice3A_41 = vector.extract_strided_slice %sqrt3A {offsets = [0, 1664], sizes = [512, 128], strides = [1, 1]} : vector<512x8192xf32> to vector<512x128xf32>
    %min3A_42 = arith.minimumf %min3A_40, %slice3A_41 : vector<512x128xf32>
    %slice3A_43 = vector.extract_strided_slice %sqrt3A {offsets = [0, 1792], sizes = [512, 128], strides = [1, 1]} : vector<512x8192xf32> to vector<512x128xf32>
    %min3A_44 = arith.minimumf %min3A_42, %slice3A_43 : vector<512x128xf32>
    %slice3A_45 = vector.extract_strided_slice %sqrt3A {offsets = [0, 1920], sizes = [512, 128], strides = [1, 1]} : vector<512x8192xf32> to vector<512x128xf32>
    %min3A_46 = arith.minimumf %min3A_44, %slice3A_45 : vector<512x128xf32>
    %slice3A_47 = vector.extract_strided_slice %sqrt3A {offsets = [0, 2048], sizes = [512, 128], strides = [1, 1]} : vector<512x8192xf32> to vector<512x128xf32>
    %min3A_48 = arith.minimumf %min3A_46, %slice3A_47 : vector<512x128xf32>
    %slice3A_49 = vector.extract_strided_slice %sqrt3A {offsets = [0, 2176], sizes = [512, 128], strides = [1, 1]} : vector<512x8192xf32> to vector<512x128xf32>
    %min3A_50 = arith.minimumf %min3A_48, %slice3A_49 : vector<512x128xf32>
    %slice3A_51 = vector.extract_strided_slice %sqrt3A {offsets = [0, 2304], sizes = [512, 128], strides = [1, 1]} : vector<512x8192xf32> to vector<512x128xf32>
    %min3A_52 = arith.minimumf %min3A_50, %slice3A_51 : vector<512x128xf32>
    %slice3A_53 = vector.extract_strided_slice %sqrt3A {offsets = [0, 2432], sizes = [512, 128], strides = [1, 1]} : vector<512x8192xf32> to vector<512x128xf32>
    %min3A_54 = arith.minimumf %min3A_52, %slice3A_53 : vector<512x128xf32>
    %slice3A_55 = vector.extract_strided_slice %sqrt3A {offsets = [0, 2560], sizes = [512, 128], strides = [1, 1]} : vector<512x8192xf32> to vector<512x128xf32>
    %min3A_56 = arith.minimumf %min3A_54, %slice3A_55 : vector<512x128xf32>
    %slice3A_57 = vector.extract_strided_slice %sqrt3A {offsets = [0, 2688], sizes = [512, 128], strides = [1, 1]} : vector<512x8192xf32> to vector<512x128xf32>
    %ge3A = arith.constant 0 : i32
    %ge3A_58 = vector.broadcast %ge3A : i32 to vector<512x128xi32>
    %ge3A_59 = arith.cmpi sge, %iota3A, %ge3A_58 : vector<512x128xi32>
    %lt3A = arith.constant 48 : i32
    %lt3A_60 = vector.broadcast %lt3A : i32 to vector<512x128xi32>
    %lt3A_61 = arith.cmpi slt, %iota3A, %lt3A_60 : vector<512x128xi32>
    %and3A = arith.andi %ge3A_59, %lt3A_61 : vector<512x128xi1>
    %jit3A = arith.constant 0x7F800000 : f32
    %broadcast_in_dim3A = vector.broadcast %jit3A : f32 to vector<512x128xf32>
    %select_n3A = arith.select %and3A, %slice3A_57, %broadcast_in_dim3A : vector<512x128xi1>, vector<512x128xf32>
    %min3A_62 = arith.minimumf %min3A_56, %select_n3A : vector<512x128xf32>
    %reduce_min3A = arith.constant dense<0x7F800000> : vector<512xf32>
    %reduce_min3A_63 = vector.multi_reduction <minimumf>, %min3A_62, %reduce_min3A [1] : vector<512x128xf32> to vector<512xf32>
    %broadcast_in_dim3A_64 = vector.shape_cast %reduce_min3A_63 : vector<512xf32> to vector<512x1xf32>
    %slice3A_65 = vector.extract_strided_slice %sqrt3A {offsets = [0, 0], sizes = [512, 128], strides = [1, 1]} : vector<512x8192xf32> to vector<512x128xf32>
    %eq3A = vector.broadcast %broadcast_in_dim3A_64 : vector<512x1xf32> to vector<512x128xf32>
    %eq3A_66 = arith.cmpf oeq, %slice3A_65, %eq3A : vector<512x128xf32>
    %add3A_67 = arith.constant 0 : i32
    %add3A_68 = vector.broadcast %add3A_67 : i32 to vector<512x128xi32>
    %add3A_69 = arith.addi %iota3A, %add3A_68 : vector<512x128xi32>
    %jit3A_70 = arith.constant 8192 : i32
    %broadcast_in_dim3A_71 = vector.broadcast %jit3A_70 : i32 to vector<512x128xi32>
    %select_n3A_72 = arith.select %eq3A_66, %add3A_69, %broadcast_in_dim3A_71 : vector<512x128xi1>, vector<512x128xi32>
    %slice3A_73 = vector.extract_strided_slice %sqrt3A {offsets = [0, 128], sizes = [512, 128], strides = [1, 1]} : vector<512x8192xf32> to vector<512x128xf32>
    %eq3A_74 = vector.broadcast %broadcast_in_dim3A_64 : vector<512x1xf32> to vector<512x128xf32>
    %eq3A_75 = arith.cmpf oeq, %slice3A_73, %eq3A_74 : vector<512x128xf32>
    %add3A_76 = arith.constant 128 : i32
    %add3A_77 = vector.broadcast %add3A_76 : i32 to vector<512x128xi32>
    %add3A_78 = arith.addi %iota3A, %add3A_77 : vector<512x128xi32>
    %jit3A_79 = arith.constant 8192 : i32
    %broadcast_in_dim3A_80 = vector.broadcast %jit3A_79 : i32 to vector<512x128xi32>
    %select_n3A_81 = arith.select %eq3A_75, %add3A_78, %broadcast_in_dim3A_80 : vector<512x128xi1>, vector<512x128xi32>
    %min3A_82 = arith.minsi %select_n3A_72, %select_n3A_81 : vector<512x128xi32>
    %slice3A_83 = vector.extract_strided_slice %sqrt3A {offsets = [0, 256], sizes = [512, 128], strides = [1, 1]} : vector<512x8192xf32> to vector<512x128xf32>
    %eq3A_84 = vector.broadcast %broadcast_in_dim3A_64 : vector<512x1xf32> to vector<512x128xf32>
    %eq3A_85 = arith.cmpf oeq, %slice3A_83, %eq3A_84 : vector<512x128xf32>
    %add3A_86 = arith.constant 256 : i32
    %add3A_87 = vector.broadcast %add3A_86 : i32 to vector<512x128xi32>
    %add3A_88 = arith.addi %iota3A, %add3A_87 : vector<512x128xi32>
    %jit3A_89 = arith.constant 8192 : i32
    %broadcast_in_dim3A_90 = vector.broadcast %jit3A_89 : i32 to vector<512x128xi32>
    %select_n3A_91 = arith.select %eq3A_85, %add3A_88, %broadcast_in_dim3A_90 : vector<512x128xi1>, vector<512x128xi32>
    %min3A_92 = arith.minsi %min3A_82, %select_n3A_91 : vector<512x128xi32>
    %slice3A_93 = vector.extract_strided_slice %sqrt3A {offsets = [0, 384], sizes = [512, 128], strides = [1, 1]} : vector<512x8192xf32> to vector<512x128xf32>
    %eq3A_94 = vector.broadcast %broadcast_in_dim3A_64 : vector<512x1xf32> to vector<512x128xf32>
    %eq3A_95 = arith.cmpf oeq, %slice3A_93, %eq3A_94 : vector<512x128xf32>
    %add3A_96 = arith.constant 384 : i32
    %add3A_97 = vector.broadcast %add3A_96 : i32 to vector<512x128xi32>
    %add3A_98 = arith.addi %iota3A, %add3A_97 : vector<512x128xi32>
    %jit3A_99 = arith.constant 8192 : i32
    %broadcast_in_dim3A_100 = vector.broadcast %jit3A_99 : i32 to vector<512x128xi32>
    %select_n3A_101 = arith.select %eq3A_95, %add3A_98, %broadcast_in_dim3A_100 : vector<512x128xi1>, vector<512x128xi32>
    %min3A_102 = arith.minsi %min3A_92, %select_n3A_101 : vector<512x128xi32>
    %slice3A_103 = vector.extract_strided_slice %sqrt3A {offsets = [0, 512], sizes = [512, 128], strides = [1, 1]} : vector<512x8192xf32> to vector<512x128xf32>
    %eq3A_104 = vector.broadcast %broadcast_in_dim3A_64 : vector<512x1xf32> to vector<512x128xf32>
    %eq3A_105 = arith.cmpf oeq, %slice3A_103, %eq3A_104 : vector<512x128xf32>
    %add3A_106 = arith.constant 512 : i32
    %add3A_107 = vector.broadcast %add3A_106 : i32 to vector<512x128xi32>
    %add3A_108 = arith.addi %iota3A, %add3A_107 : vector<512x128xi32>
    %jit3A_109 = arith.constant 8192 : i32
    %broadcast_in_dim3A_110 = vector.broadcast %jit3A_109 : i32 to vector<512x128xi32>
    %select_n3A_111 = arith.select %eq3A_105, %add3A_108, %broadcast_in_dim3A_110 : vector<512x128xi1>, vector<512x128xi32>
    %min3A_112 = arith.minsi %min3A_102, %select_n3A_111 : vector<512x128xi32>
    %slice3A_113 = vector.extract_strided_slice %sqrt3A {offsets = [0, 640], sizes = [512, 128], strides = [1, 1]} : vector<512x8192xf32> to vector<512x128xf32>
    %eq3A_114 = vector.broadcast %broadcast_in_dim3A_64 : vector<512x1xf32> to vector<512x128xf32>
    %eq3A_115 = arith.cmpf oeq, %slice3A_113, %eq3A_114 : vector<512x128xf32>
    %add3A_116 = arith.constant 640 : i32
    %add3A_117 = vector.broadcast %add3A_116 : i32 to vector<512x128xi32>
    %add3A_118 = arith.addi %iota3A, %add3A_117 : vector<512x128xi32>
    %jit3A_119 = arith.constant 8192 : i32
    %broadcast_in_dim3A_120 = vector.broadcast %jit3A_119 : i32 to vector<512x128xi32>
    %select_n3A_121 = arith.select %eq3A_115, %add3A_118, %broadcast_in_dim3A_120 : vector<512x128xi1>, vector<512x128xi32>
    %min3A_122 = arith.minsi %min3A_112, %select_n3A_121 : vector<512x128xi32>
    %slice3A_123 = vector.extract_strided_slice %sqrt3A {offsets = [0, 768], sizes = [512, 128], strides = [1, 1]} : vector<512x8192xf32> to vector<512x128xf32>
    %eq3A_124 = vector.broadcast %broadcast_in_dim3A_64 : vector<512x1xf32> to vector<512x128xf32>
    %eq3A_125 = arith.cmpf oeq, %slice3A_123, %eq3A_124 : vector<512x128xf32>
    %add3A_126 = arith.constant 768 : i32
    %add3A_127 = vector.broadcast %add3A_126 : i32 to vector<512x128xi32>
    %add3A_128 = arith.addi %iota3A, %add3A_127 : vector<512x128xi32>
    %jit3A_129 = arith.constant 8192 : i32
    %broadcast_in_dim3A_130 = vector.broadcast %jit3A_129 : i32 to vector<512x128xi32>
    %select_n3A_131 = arith.select %eq3A_125, %add3A_128, %broadcast_in_dim3A_130 : vector<512x128xi1>, vector<512x128xi32>
    %min3A_132 = arith.minsi %min3A_122, %select_n3A_131 : vector<512x128xi32>
    %slice3A_133 = vector.extract_strided_slice %sqrt3A {offsets = [0, 896], sizes = [512, 128], strides = [1, 1]} : vector<512x8192xf32> to vector<512x128xf32>
    %eq3A_134 = vector.broadcast %broadcast_in_dim3A_64 : vector<512x1xf32> to vector<512x128xf32>
    %eq3A_135 = arith.cmpf oeq, %slice3A_133, %eq3A_134 : vector<512x128xf32>
    %add3A_136 = arith.constant 896 : i32
    %add3A_137 = vector.broadcast %add3A_136 : i32 to vector<512x128xi32>
    %add3A_138 = arith.addi %iota3A, %add3A_137 : vector<512x128xi32>
    %jit3A_139 = arith.constant 8192 : i32
    %broadcast_in_dim3A_140 = vector.broadcast %jit3A_139 : i32 to vector<512x128xi32>
    %select_n3A_141 = arith.select %eq3A_135, %add3A_138, %broadcast_in_dim3A_140 : vector<512x128xi1>, vector<512x128xi32>
    %min3A_142 = arith.minsi %min3A_132, %select_n3A_141 : vector<512x128xi32>
    %slice3A_143 = vector.extract_strided_slice %sqrt3A {offsets = [0, 1024], sizes = [512, 128], strides = [1, 1]} : vector<512x8192xf32> to vector<512x128xf32>
    %eq3A_144 = vector.broadcast %broadcast_in_dim3A_64 : vector<512x1xf32> to vector<512x128xf32>
    %eq3A_145 = arith.cmpf oeq, %slice3A_143, %eq3A_144 : vector<512x128xf32>
    %add3A_146 = arith.constant 1024 : i32
    %add3A_147 = vector.broadcast %add3A_146 : i32 to vector<512x128xi32>
    %add3A_148 = arith.addi %iota3A, %add3A_147 : vector<512x128xi32>
    %jit3A_149 = arith.constant 8192 : i32
    %broadcast_in_dim3A_150 = vector.broadcast %jit3A_149 : i32 to vector<512x128xi32>
    %select_n3A_151 = arith.select %eq3A_145, %add3A_148, %broadcast_in_dim3A_150 : vector<512x128xi1>, vector<512x128xi32>
    %min3A_152 = arith.minsi %min3A_142, %select_n3A_151 : vector<512x128xi32>
    %slice3A_153 = vector.extract_strided_slice %sqrt3A {offsets = [0, 1152], sizes = [512, 128], strides = [1, 1]} : vector<512x8192xf32> to vector<512x128xf32>
    %eq3A_154 = vector.broadcast %broadcast_in_dim3A_64 : vector<512x1xf32> to vector<512x128xf32>
    %eq3A_155 = arith.cmpf oeq, %slice3A_153, %eq3A_154 : vector<512x128xf32>
    %add3A_156 = arith.constant 1152 : i32
    %add3A_157 = vector.broadcast %add3A_156 : i32 to vector<512x128xi32>
    %add3A_158 = arith.addi %iota3A, %add3A_157 : vector<512x128xi32>
    %jit3A_159 = arith.constant 8192 : i32
    %broadcast_in_dim3A_160 = vector.broadcast %jit3A_159 : i32 to vector<512x128xi32>
    %select_n3A_161 = arith.select %eq3A_155, %add3A_158, %broadcast_in_dim3A_160 : vector<512x128xi1>, vector<512x128xi32>
    %min3A_162 = arith.minsi %min3A_152, %select_n3A_161 : vector<512x128xi32>
    %slice3A_163 = vector.extract_strided_slice %sqrt3A {offsets = [0, 1280], sizes = [512, 128], strides = [1, 1]} : vector<512x8192xf32> to vector<512x128xf32>
    %eq3A_164 = vector.broadcast %broadcast_in_dim3A_64 : vector<512x1xf32> to vector<512x128xf32>
    %eq3A_165 = arith.cmpf oeq, %slice3A_163, %eq3A_164 : vector<512x128xf32>
    %add3A_166 = arith.constant 1280 : i32
    %add3A_167 = vector.broadcast %add3A_166 : i32 to vector<512x128xi32>
    %add3A_168 = arith.addi %iota3A, %add3A_167 : vector<512x128xi32>
    %jit3A_169 = arith.constant 8192 : i32
    %broadcast_in_dim3A_170 = vector.broadcast %jit3A_169 : i32 to vector<512x128xi32>
    %select_n3A_171 = arith.select %eq3A_165, %add3A_168, %broadcast_in_dim3A_170 : vector<512x128xi1>, vector<512x128xi32>
    %min3A_172 = arith.minsi %min3A_162, %select_n3A_171 : vector<512x128xi32>
    %slice3A_173 = vector.extract_strided_slice %sqrt3A {offsets = [0, 1408], sizes = [512, 128], strides = [1, 1]} : vector<512x8192xf32> to vector<512x128xf32>
    %eq3A_174 = vector.broadcast %broadcast_in_dim3A_64 : vector<512x1xf32> to vector<512x128xf32>
    %eq3A_175 = arith.cmpf oeq, %slice3A_173, %eq3A_174 : vector<512x128xf32>
    %add3A_176 = arith.constant 1408 : i32
    %add3A_177 = vector.broadcast %add3A_176 : i32 to vector<512x128xi32>
    %add3A_178 = arith.addi %iota3A, %add3A_177 : vector<512x128xi32>
    %jit3A_179 = arith.constant 8192 : i32
    %broadcast_in_dim3A_180 = vector.broadcast %jit3A_179 : i32 to vector<512x128xi32>
    %select_n3A_181 = arith.select %eq3A_175, %add3A_178, %broadcast_in_dim3A_180 : vector<512x128xi1>, vector<512x128xi32>
    %min3A_182 = arith.minsi %min3A_172, %select_n3A_181 : vector<512x128xi32>
    %slice3A_183 = vector.extract_strided_slice %sqrt3A {offsets = [0, 1536], sizes = [512, 128], strides = [1, 1]} : vector<512x8192xf32> to vector<512x128xf32>
    %eq3A_184 = vector.broadcast %broadcast_in_dim3A_64 : vector<512x1xf32> to vector<512x128xf32>
    %eq3A_185 = arith.cmpf oeq, %slice3A_183, %eq3A_184 : vector<512x128xf32>
    %add3A_186 = arith.constant 1536 : i32
    %add3A_187 = vector.broadcast %add3A_186 : i32 to vector<512x128xi32>
    %add3A_188 = arith.addi %iota3A, %add3A_187 : vector<512x128xi32>
    %jit3A_189 = arith.constant 8192 : i32
    %broadcast_in_dim3A_190 = vector.broadcast %jit3A_189 : i32 to vector<512x128xi32>
    %select_n3A_191 = arith.select %eq3A_185, %add3A_188, %broadcast_in_dim3A_190 : vector<512x128xi1>, vector<512x128xi32>
    %min3A_192 = arith.minsi %min3A_182, %select_n3A_191 : vector<512x128xi32>
    %slice3A_193 = vector.extract_strided_slice %sqrt3A {offsets = [0, 1664], sizes = [512, 128], strides = [1, 1]} : vector<512x8192xf32> to vector<512x128xf32>
    %eq3A_194 = vector.broadcast %broadcast_in_dim3A_64 : vector<512x1xf32> to vector<512x128xf32>
    %eq3A_195 = arith.cmpf oeq, %slice3A_193, %eq3A_194 : vector<512x128xf32>
    %add3A_196 = arith.constant 1664 : i32
    %add3A_197 = vector.broadcast %add3A_196 : i32 to vector<512x128xi32>
    %add3A_198 = arith.addi %iota3A, %add3A_197 : vector<512x128xi32>
    %jit3A_199 = arith.constant 8192 : i32
    %broadcast_in_dim3A_200 = vector.broadcast %jit3A_199 : i32 to vector<512x128xi32>
    %select_n3A_201 = arith.select %eq3A_195, %add3A_198, %broadcast_in_dim3A_200 : vector<512x128xi1>, vector<512x128xi32>
    %min3A_202 = arith.minsi %min3A_192, %select_n3A_201 : vector<512x128xi32>
    %slice3A_203 = vector.extract_strided_slice %sqrt3A {offsets = [0, 1792], sizes = [512, 128], strides = [1, 1]} : vector<512x8192xf32> to vector<512x128xf32>
    %eq3A_204 = vector.broadcast %broadcast_in_dim3A_64 : vector<512x1xf32> to vector<512x128xf32>
    %eq3A_205 = arith.cmpf oeq, %slice3A_203, %eq3A_204 : vector<512x128xf32>
    %add3A_206 = arith.constant 1792 : i32
    %add3A_207 = vector.broadcast %add3A_206 : i32 to vector<512x128xi32>
    %add3A_208 = arith.addi %iota3A, %add3A_207 : vector<512x128xi32>
    %jit3A_209 = arith.constant 8192 : i32
    %broadcast_in_dim3A_210 = vector.broadcast %jit3A_209 : i32 to vector<512x128xi32>
    %select_n3A_211 = arith.select %eq3A_205, %add3A_208, %broadcast_in_dim3A_210 : vector<512x128xi1>, vector<512x128xi32>
    %min3A_212 = arith.minsi %min3A_202, %select_n3A_211 : vector<512x128xi32>
    %slice3A_213 = vector.extract_strided_slice %sqrt3A {offsets = [0, 1920], sizes = [512, 128], strides = [1, 1]} : vector<512x8192xf32> to vector<512x128xf32>
    %eq3A_214 = vector.broadcast %broadcast_in_dim3A_64 : vector<512x1xf32> to vector<512x128xf32>
    %eq3A_215 = arith.cmpf oeq, %slice3A_213, %eq3A_214 : vector<512x128xf32>
    %add3A_216 = arith.constant 1920 : i32
    %add3A_217 = vector.broadcast %add3A_216 : i32 to vector<512x128xi32>
    %add3A_218 = arith.addi %iota3A, %add3A_217 : vector<512x128xi32>
    %jit3A_219 = arith.constant 8192 : i32
    %broadcast_in_dim3A_220 = vector.broadcast %jit3A_219 : i32 to vector<512x128xi32>
    %select_n3A_221 = arith.select %eq3A_215, %add3A_218, %broadcast_in_dim3A_220 : vector<512x128xi1>, vector<512x128xi32>
    %min3A_222 = arith.minsi %min3A_212, %select_n3A_221 : vector<512x128xi32>
    %slice3A_223 = vector.extract_strided_slice %sqrt3A {offsets = [0, 2048], sizes = [512, 128], strides = [1, 1]} : vector<512x8192xf32> to vector<512x128xf32>
    %eq3A_224 = vector.broadcast %broadcast_in_dim3A_64 : vector<512x1xf32> to vector<512x128xf32>
    %eq3A_225 = arith.cmpf oeq, %slice3A_223, %eq3A_224 : vector<512x128xf32>
    %add3A_226 = arith.constant 2048 : i32
    %add3A_227 = vector.broadcast %add3A_226 : i32 to vector<512x128xi32>
    %add3A_228 = arith.addi %iota3A, %add3A_227 : vector<512x128xi32>
    %jit3A_229 = arith.constant 8192 : i32
    %broadcast_in_dim3A_230 = vector.broadcast %jit3A_229 : i32 to vector<512x128xi32>
    %select_n3A_231 = arith.select %eq3A_225, %add3A_228, %broadcast_in_dim3A_230 : vector<512x128xi1>, vector<512x128xi32>
    %min3A_232 = arith.minsi %min3A_222, %select_n3A_231 : vector<512x128xi32>
    %slice3A_233 = vector.extract_strided_slice %sqrt3A {offsets = [0, 2176], sizes = [512, 128], strides = [1, 1]} : vector<512x8192xf32> to vector<512x128xf32>
    %eq3A_234 = vector.broadcast %broadcast_in_dim3A_64 : vector<512x1xf32> to vector<512x128xf32>
    %eq3A_235 = arith.cmpf oeq, %slice3A_233, %eq3A_234 : vector<512x128xf32>
    %add3A_236 = arith.constant 2176 : i32
    %add3A_237 = vector.broadcast %add3A_236 : i32 to vector<512x128xi32>
    %add3A_238 = arith.addi %iota3A, %add3A_237 : vector<512x128xi32>
    %jit3A_239 = arith.constant 8192 : i32
    %broadcast_in_dim3A_240 = vector.broadcast %jit3A_239 : i32 to vector<512x128xi32>
    %select_n3A_241 = arith.select %eq3A_235, %add3A_238, %broadcast_in_dim3A_240 : vector<512x128xi1>, vector<512x128xi32>
    %min3A_242 = arith.minsi %min3A_232, %select_n3A_241 : vector<512x128xi32>
    %slice3A_243 = vector.extract_strided_slice %sqrt3A {offsets = [0, 2304], sizes = [512, 128], strides = [1, 1]} : vector<512x8192xf32> to vector<512x128xf32>
    %eq3A_244 = vector.broadcast %broadcast_in_dim3A_64 : vector<512x1xf32> to vector<512x128xf32>
    %eq3A_245 = arith.cmpf oeq, %slice3A_243, %eq3A_244 : vector<512x128xf32>
    %add3A_246 = arith.constant 2304 : i32
    %add3A_247 = vector.broadcast %add3A_246 : i32 to vector<512x128xi32>
    %add3A_248 = arith.addi %iota3A, %add3A_247 : vector<512x128xi32>
    %jit3A_249 = arith.constant 8192 : i32
    %broadcast_in_dim3A_250 = vector.broadcast %jit3A_249 : i32 to vector<512x128xi32>
    %select_n3A_251 = arith.select %eq3A_245, %add3A_248, %broadcast_in_dim3A_250 : vector<512x128xi1>, vector<512x128xi32>
    %min3A_252 = arith.minsi %min3A_242, %select_n3A_251 : vector<512x128xi32>
    %slice3A_253 = vector.extract_strided_slice %sqrt3A {offsets = [0, 2432], sizes = [512, 128], strides = [1, 1]} : vector<512x8192xf32> to vector<512x128xf32>
    %eq3A_254 = vector.broadcast %broadcast_in_dim3A_64 : vector<512x1xf32> to vector<512x128xf32>
    %eq3A_255 = arith.cmpf oeq, %slice3A_253, %eq3A_254 : vector<512x128xf32>
    %add3A_256 = arith.constant 2432 : i32
    %add3A_257 = vector.broadcast %add3A_256 : i32 to vector<512x128xi32>
    %add3A_258 = arith.addi %iota3A, %add3A_257 : vector<512x128xi32>
    %jit3A_259 = arith.constant 8192 : i32
    %broadcast_in_dim3A_260 = vector.broadcast %jit3A_259 : i32 to vector<512x128xi32>
    %select_n3A_261 = arith.select %eq3A_255, %add3A_258, %broadcast_in_dim3A_260 : vector<512x128xi1>, vector<512x128xi32>
    %min3A_262 = arith.minsi %min3A_252, %select_n3A_261 : vector<512x128xi32>
    %slice3A_263 = vector.extract_strided_slice %sqrt3A {offsets = [0, 2560], sizes = [512, 128], strides = [1, 1]} : vector<512x8192xf32> to vector<512x128xf32>
    %eq3A_264 = vector.broadcast %broadcast_in_dim3A_64 : vector<512x1xf32> to vector<512x128xf32>
    %eq3A_265 = arith.cmpf oeq, %slice3A_263, %eq3A_264 : vector<512x128xf32>
    %add3A_266 = arith.constant 2560 : i32
    %add3A_267 = vector.broadcast %add3A_266 : i32 to vector<512x128xi32>
    %add3A_268 = arith.addi %iota3A, %add3A_267 : vector<512x128xi32>
    %jit3A_269 = arith.constant 8192 : i32
    %broadcast_in_dim3A_270 = vector.broadcast %jit3A_269 : i32 to vector<512x128xi32>
    %select_n3A_271 = arith.select %eq3A_265, %add3A_268, %broadcast_in_dim3A_270 : vector<512x128xi1>, vector<512x128xi32>
    %min3A_272 = arith.minsi %min3A_262, %select_n3A_271 : vector<512x128xi32>
    %slice3A_273 = vector.extract_strided_slice %sqrt3A {offsets = [0, 2688], sizes = [512, 128], strides = [1, 1]} : vector<512x8192xf32> to vector<512x128xf32>
    %eq3A_274 = vector.broadcast %broadcast_in_dim3A_64 : vector<512x1xf32> to vector<512x128xf32>
    %eq3A_275 = arith.cmpf oeq, %slice3A_273, %eq3A_274 : vector<512x128xf32>
    %add3A_276 = arith.constant 2688 : i32
    %add3A_277 = vector.broadcast %add3A_276 : i32 to vector<512x128xi32>
    %add3A_278 = arith.addi %iota3A, %add3A_277 : vector<512x128xi32>
    %jit3A_279 = arith.constant 8192 : i32
    %broadcast_in_dim3A_280 = vector.broadcast %jit3A_279 : i32 to vector<512x128xi32>
    %select_n3A_281 = arith.select %eq3A_275, %add3A_278, %broadcast_in_dim3A_280 : vector<512x128xi1>, vector<512x128xi32>
    %ge3A_282 = arith.constant 0 : i32
    %ge3A_283 = vector.broadcast %ge3A_282 : i32 to vector<512x128xi32>
    %ge3A_284 = arith.cmpi sge, %iota3A, %ge3A_283 : vector<512x128xi32>
    %lt3A_285 = arith.constant 48 : i32
    %lt3A_286 = vector.broadcast %lt3A_285 : i32 to vector<512x128xi32>
    %lt3A_287 = arith.cmpi slt, %iota3A, %lt3A_286 : vector<512x128xi32>
    %and3A_288 = arith.andi %ge3A_284, %lt3A_287 : vector<512x128xi1>
    %jit3A_289 = arith.constant 8192 : i32
    %broadcast_in_dim3A_290 = vector.broadcast %jit3A_289 : i32 to vector<512x128xi32>
    %select_n3A_291 = arith.select %and3A_288, %select_n3A_281, %broadcast_in_dim3A_290 : vector<512x128xi1>, vector<512x128xi32>
    %min3A_292 = arith.minsi %min3A_272, %select_n3A_291 : vector<512x128xi32>
    %reduce_min3A_293 = arith.constant dense<2147483647> : vector<512xi32>
    %reduce_min3A_294 = vector.multi_reduction <minsi>, %min3A_292, %reduce_min3A_293 [1] : vector<512x128xi32> to vector<512xi32>
    %broadcast_in_dim3A_295 = vector.shape_cast %reduce_min3A_294 : vector<512xi32> to vector<512x1xi32>
    %convert_element_type3A = arith.truncf %broadcast_in_dim3A_64 : vector<512x1xf32> to vector<512x1xbf16>
    %convert_element_type3A_296 = arith.extf %convert_element_type3A : vector<512x1xbf16> to vector<512x1xf32>
    %slice3A_297 = vector.extract_strided_slice %sqrt3A {offsets = [0, 2688], sizes = [512, 128], strides = [1, 1]} : vector<512x8192xf32> to vector<512x128xf32>
    %ge3A_298 = arith.constant 48 : i32
    %ge3A_299 = vector.broadcast %ge3A_298 : i32 to vector<512x128xi32>
    %ge3A_300 = arith.cmpi sge, %iota3A, %ge3A_299 : vector<512x128xi32>
    %lt3A_301 = arith.constant 128 : i32
    %lt3A_302 = vector.broadcast %lt3A_301 : i32 to vector<512x128xi32>
    %lt3A_303 = arith.cmpi slt, %iota3A, %lt3A_302 : vector<512x128xi32>
    %and3A_304 = arith.andi %ge3A_300, %lt3A_303 : vector<512x128xi1>
    %jit3A_305 = arith.constant 0x7F800000 : f32
    %broadcast_in_dim3A_306 = vector.broadcast %jit3A_305 : f32 to vector<512x128xf32>
    %select_n3A_307 = arith.select %and3A_304, %slice3A_297, %broadcast_in_dim3A_306 : vector<512x128xi1>, vector<512x128xf32>
    %slice3A_308 = vector.extract_strided_slice %sqrt3A {offsets = [0, 2816], sizes = [512, 128], strides = [1, 1]} : vector<512x8192xf32> to vector<512x128xf32>
    %min3A_309 = arith.minimumf %select_n3A_307, %slice3A_308 : vector<512x128xf32>
    %slice3A_310 = vector.extract_strided_slice %sqrt3A {offsets = [0, 2944], sizes = [512, 128], strides = [1, 1]} : vector<512x8192xf32> to vector<512x128xf32>
    %min3A_311 = arith.minimumf %min3A_309, %slice3A_310 : vector<512x128xf32>
    %slice3A_312 = vector.extract_strided_slice %sqrt3A {offsets = [0, 3072], sizes = [512, 128], strides = [1, 1]} : vector<512x8192xf32> to vector<512x128xf32>
    %min3A_313 = arith.minimumf %min3A_311, %slice3A_312 : vector<512x128xf32>
    %slice3A_314 = vector.extract_strided_slice %sqrt3A {offsets = [0, 3200], sizes = [512, 128], strides = [1, 1]} : vector<512x8192xf32> to vector<512x128xf32>
    %min3A_315 = arith.minimumf %min3A_313, %slice3A_314 : vector<512x128xf32>
    %slice3A_316 = vector.extract_strided_slice %sqrt3A {offsets = [0, 3328], sizes = [512, 128], strides = [1, 1]} : vector<512x8192xf32> to vector<512x128xf32>
    %min3A_317 = arith.minimumf %min3A_315, %slice3A_316 : vector<512x128xf32>
    %slice3A_318 = vector.extract_strided_slice %sqrt3A {offsets = [0, 3456], sizes = [512, 128], strides = [1, 1]} : vector<512x8192xf32> to vector<512x128xf32>
    %min3A_319 = arith.minimumf %min3A_317, %slice3A_318 : vector<512x128xf32>
    %slice3A_320 = vector.extract_strided_slice %sqrt3A {offsets = [0, 3584], sizes = [512, 128], strides = [1, 1]} : vector<512x8192xf32> to vector<512x128xf32>
    %min3A_321 = arith.minimumf %min3A_319, %slice3A_320 : vector<512x128xf32>
    %slice3A_322 = vector.extract_strided_slice %sqrt3A {offsets = [0, 3712], sizes = [512, 128], strides = [1, 1]} : vector<512x8192xf32> to vector<512x128xf32>
    %min3A_323 = arith.minimumf %min3A_321, %slice3A_322 : vector<512x128xf32>
    %slice3A_324 = vector.extract_strided_slice %sqrt3A {offsets = [0, 3840], sizes = [512, 128], strides = [1, 1]} : vector<512x8192xf32> to vector<512x128xf32>
    %min3A_325 = arith.minimumf %min3A_323, %slice3A_324 : vector<512x128xf32>
    %slice3A_326 = vector.extract_strided_slice %sqrt3A {offsets = [0, 3968], sizes = [512, 128], strides = [1, 1]} : vector<512x8192xf32> to vector<512x128xf32>
    %min3A_327 = arith.minimumf %min3A_325, %slice3A_326 : vector<512x128xf32>
    %slice3A_328 = vector.extract_strided_slice %sqrt3A {offsets = [0, 4096], sizes = [512, 128], strides = [1, 1]} : vector<512x8192xf32> to vector<512x128xf32>
    %min3A_329 = arith.minimumf %min3A_327, %slice3A_328 : vector<512x128xf32>
    %slice3A_330 = vector.extract_strided_slice %sqrt3A {offsets = [0, 4224], sizes = [512, 128], strides = [1, 1]} : vector<512x8192xf32> to vector<512x128xf32>
    %min3A_331 = arith.minimumf %min3A_329, %slice3A_330 : vector<512x128xf32>
    %slice3A_332 = vector.extract_strided_slice %sqrt3A {offsets = [0, 4352], sizes = [512, 128], strides = [1, 1]} : vector<512x8192xf32> to vector<512x128xf32>
    %min3A_333 = arith.minimumf %min3A_331, %slice3A_332 : vector<512x128xf32>
    %slice3A_334 = vector.extract_strided_slice %sqrt3A {offsets = [0, 4480], sizes = [512, 128], strides = [1, 1]} : vector<512x8192xf32> to vector<512x128xf32>
    %min3A_335 = arith.minimumf %min3A_333, %slice3A_334 : vector<512x128xf32>
    %slice3A_336 = vector.extract_strided_slice %sqrt3A {offsets = [0, 4608], sizes = [512, 128], strides = [1, 1]} : vector<512x8192xf32> to vector<512x128xf32>
    %min3A_337 = arith.minimumf %min3A_335, %slice3A_336 : vector<512x128xf32>
    %slice3A_338 = vector.extract_strided_slice %sqrt3A {offsets = [0, 4736], sizes = [512, 128], strides = [1, 1]} : vector<512x8192xf32> to vector<512x128xf32>
    %min3A_339 = arith.minimumf %min3A_337, %slice3A_338 : vector<512x128xf32>
    %slice3A_340 = vector.extract_strided_slice %sqrt3A {offsets = [0, 4864], sizes = [512, 128], strides = [1, 1]} : vector<512x8192xf32> to vector<512x128xf32>
    %min3A_341 = arith.minimumf %min3A_339, %slice3A_340 : vector<512x128xf32>
    %slice3A_342 = vector.extract_strided_slice %sqrt3A {offsets = [0, 4992], sizes = [512, 128], strides = [1, 1]} : vector<512x8192xf32> to vector<512x128xf32>
    %min3A_343 = arith.minimumf %min3A_341, %slice3A_342 : vector<512x128xf32>
    %slice3A_344 = vector.extract_strided_slice %sqrt3A {offsets = [0, 5120], sizes = [512, 128], strides = [1, 1]} : vector<512x8192xf32> to vector<512x128xf32>
    %min3A_345 = arith.minimumf %min3A_343, %slice3A_344 : vector<512x128xf32>
    %slice3A_346 = vector.extract_strided_slice %sqrt3A {offsets = [0, 5248], sizes = [512, 128], strides = [1, 1]} : vector<512x8192xf32> to vector<512x128xf32>
    %min3A_347 = arith.minimumf %min3A_345, %slice3A_346 : vector<512x128xf32>
    %slice3A_348 = vector.extract_strided_slice %sqrt3A {offsets = [0, 5376], sizes = [512, 128], strides = [1, 1]} : vector<512x8192xf32> to vector<512x128xf32>
    %ge3A_349 = arith.constant 0 : i32
    %ge3A_350 = vector.broadcast %ge3A_349 : i32 to vector<512x128xi32>
    %ge3A_351 = arith.cmpi sge, %iota3A, %ge3A_350 : vector<512x128xi32>
    %lt3A_352 = arith.constant 96 : i32
    %lt3A_353 = vector.broadcast %lt3A_352 : i32 to vector<512x128xi32>
    %lt3A_354 = arith.cmpi slt, %iota3A, %lt3A_353 : vector<512x128xi32>
    %and3A_355 = arith.andi %ge3A_351, %lt3A_354 : vector<512x128xi1>
    %jit3A_356 = arith.constant 0x7F800000 : f32
    %broadcast_in_dim3A_357 = vector.broadcast %jit3A_356 : f32 to vector<512x128xf32>
    %select_n3A_358 = arith.select %and3A_355, %slice3A_348, %broadcast_in_dim3A_357 : vector<512x128xi1>, vector<512x128xf32>
    %min3A_359 = arith.minimumf %min3A_347, %select_n3A_358 : vector<512x128xf32>
    %reduce_min3A_360 = arith.constant dense<0x7F800000> : vector<512xf32>
    %reduce_min3A_361 = vector.multi_reduction <minimumf>, %min3A_359, %reduce_min3A_360 [1] : vector<512x128xf32> to vector<512xf32>
    %broadcast_in_dim3A_362 = vector.shape_cast %reduce_min3A_361 : vector<512xf32> to vector<512x1xf32>
    %slice3A_363 = vector.extract_strided_slice %sqrt3A {offsets = [0, 2688], sizes = [512, 128], strides = [1, 1]} : vector<512x8192xf32> to vector<512x128xf32>
    %eq3A_364 = vector.broadcast %broadcast_in_dim3A_362 : vector<512x1xf32> to vector<512x128xf32>
    %eq3A_365 = arith.cmpf oeq, %slice3A_363, %eq3A_364 : vector<512x128xf32>
    %add3A_366 = arith.constant 2688 : i32
    %add3A_367 = vector.broadcast %add3A_366 : i32 to vector<512x128xi32>
    %add3A_368 = arith.addi %iota3A, %add3A_367 : vector<512x128xi32>
    %jit3A_369 = arith.constant 8192 : i32
    %broadcast_in_dim3A_370 = vector.broadcast %jit3A_369 : i32 to vector<512x128xi32>
    %select_n3A_371 = arith.select %eq3A_365, %add3A_368, %broadcast_in_dim3A_370 : vector<512x128xi1>, vector<512x128xi32>
    %ge3A_372 = arith.constant 48 : i32
    %ge3A_373 = vector.broadcast %ge3A_372 : i32 to vector<512x128xi32>
    %ge3A_374 = arith.cmpi sge, %iota3A, %ge3A_373 : vector<512x128xi32>
    %lt3A_375 = arith.constant 128 : i32
    %lt3A_376 = vector.broadcast %lt3A_375 : i32 to vector<512x128xi32>
    %lt3A_377 = arith.cmpi slt, %iota3A, %lt3A_376 : vector<512x128xi32>
    %and3A_378 = arith.andi %ge3A_374, %lt3A_377 : vector<512x128xi1>
    %jit3A_379 = arith.constant 8192 : i32
    %broadcast_in_dim3A_380 = vector.broadcast %jit3A_379 : i32 to vector<512x128xi32>
    %select_n3A_381 = arith.select %and3A_378, %select_n3A_371, %broadcast_in_dim3A_380 : vector<512x128xi1>, vector<512x128xi32>
    %slice3A_382 = vector.extract_strided_slice %sqrt3A {offsets = [0, 2816], sizes = [512, 128], strides = [1, 1]} : vector<512x8192xf32> to vector<512x128xf32>
    %eq3A_383 = vector.broadcast %broadcast_in_dim3A_362 : vector<512x1xf32> to vector<512x128xf32>
    %eq3A_384 = arith.cmpf oeq, %slice3A_382, %eq3A_383 : vector<512x128xf32>
    %add3A_385 = arith.constant 2816 : i32
    %add3A_386 = vector.broadcast %add3A_385 : i32 to vector<512x128xi32>
    %add3A_387 = arith.addi %iota3A, %add3A_386 : vector<512x128xi32>
    %jit3A_388 = arith.constant 8192 : i32
    %broadcast_in_dim3A_389 = vector.broadcast %jit3A_388 : i32 to vector<512x128xi32>
    %select_n3A_390 = arith.select %eq3A_384, %add3A_387, %broadcast_in_dim3A_389 : vector<512x128xi1>, vector<512x128xi32>
    %min3A_391 = arith.minsi %select_n3A_381, %select_n3A_390 : vector<512x128xi32>
    %slice3A_392 = vector.extract_strided_slice %sqrt3A {offsets = [0, 2944], sizes = [512, 128], strides = [1, 1]} : vector<512x8192xf32> to vector<512x128xf32>
    %eq3A_393 = vector.broadcast %broadcast_in_dim3A_362 : vector<512x1xf32> to vector<512x128xf32>
    %eq3A_394 = arith.cmpf oeq, %slice3A_392, %eq3A_393 : vector<512x128xf32>
    %add3A_395 = arith.constant 2944 : i32
    %add3A_396 = vector.broadcast %add3A_395 : i32 to vector<512x128xi32>
    %add3A_397 = arith.addi %iota3A, %add3A_396 : vector<512x128xi32>
    %jit3A_398 = arith.constant 8192 : i32
    %broadcast_in_dim3A_399 = vector.broadcast %jit3A_398 : i32 to vector<512x128xi32>
    %select_n3A_400 = arith.select %eq3A_394, %add3A_397, %broadcast_in_dim3A_399 : vector<512x128xi1>, vector<512x128xi32>
    %min3A_401 = arith.minsi %min3A_391, %select_n3A_400 : vector<512x128xi32>
    %slice3A_402 = vector.extract_strided_slice %sqrt3A {offsets = [0, 3072], sizes = [512, 128], strides = [1, 1]} : vector<512x8192xf32> to vector<512x128xf32>
    %eq3A_403 = vector.broadcast %broadcast_in_dim3A_362 : vector<512x1xf32> to vector<512x128xf32>
    %eq3A_404 = arith.cmpf oeq, %slice3A_402, %eq3A_403 : vector<512x128xf32>
    %add3A_405 = arith.constant 3072 : i32
    %add3A_406 = vector.broadcast %add3A_405 : i32 to vector<512x128xi32>
    %add3A_407 = arith.addi %iota3A, %add3A_406 : vector<512x128xi32>
    %jit3A_408 = arith.constant 8192 : i32
    %broadcast_in_dim3A_409 = vector.broadcast %jit3A_408 : i32 to vector<512x128xi32>
    %select_n3A_410 = arith.select %eq3A_404, %add3A_407, %broadcast_in_dim3A_409 : vector<512x128xi1>, vector<512x128xi32>
    %min3A_411 = arith.minsi %min3A_401, %select_n3A_410 : vector<512x128xi32>
    %slice3A_412 = vector.extract_strided_slice %sqrt3A {offsets = [0, 3200], sizes = [512, 128], strides = [1, 1]} : vector<512x8192xf32> to vector<512x128xf32>
    %eq3A_413 = vector.broadcast %broadcast_in_dim3A_362 : vector<512x1xf32> to vector<512x128xf32>
    %eq3A_414 = arith.cmpf oeq, %slice3A_412, %eq3A_413 : vector<512x128xf32>
    %add3A_415 = arith.constant 3200 : i32
    %add3A_416 = vector.broadcast %add3A_415 : i32 to vector<512x128xi32>
    %add3A_417 = arith.addi %iota3A, %add3A_416 : vector<512x128xi32>
    %jit3A_418 = arith.constant 8192 : i32
    %broadcast_in_dim3A_419 = vector.broadcast %jit3A_418 : i32 to vector<512x128xi32>
    %select_n3A_420 = arith.select %eq3A_414, %add3A_417, %broadcast_in_dim3A_419 : vector<512x128xi1>, vector<512x128xi32>
    %min3A_421 = arith.minsi %min3A_411, %select_n3A_420 : vector<512x128xi32>
    %slice3A_422 = vector.extract_strided_slice %sqrt3A {offsets = [0, 3328], sizes = [512, 128], strides = [1, 1]} : vector<512x8192xf32> to vector<512x128xf32>
    %eq3A_423 = vector.broadcast %broadcast_in_dim3A_362 : vector<512x1xf32> to vector<512x128xf32>
    %eq3A_424 = arith.cmpf oeq, %slice3A_422, %eq3A_423 : vector<512x128xf32>
    %add3A_425 = arith.constant 3328 : i32
    %add3A_426 = vector.broadcast %add3A_425 : i32 to vector<512x128xi32>
    %add3A_427 = arith.addi %iota3A, %add3A_426 : vector<512x128xi32>
    %jit3A_428 = arith.constant 8192 : i32
    %broadcast_in_dim3A_429 = vector.broadcast %jit3A_428 : i32 to vector<512x128xi32>
    %select_n3A_430 = arith.select %eq3A_424, %add3A_427, %broadcast_in_dim3A_429 : vector<512x128xi1>, vector<512x128xi32>
    %min3A_431 = arith.minsi %min3A_421, %select_n3A_430 : vector<512x128xi32>
    %slice3A_432 = vector.extract_strided_slice %sqrt3A {offsets = [0, 3456], sizes = [512, 128], strides = [1, 1]} : vector<512x8192xf32> to vector<512x128xf32>
    %eq3A_433 = vector.broadcast %broadcast_in_dim3A_362 : vector<512x1xf32> to vector<512x128xf32>
    %eq3A_434 = arith.cmpf oeq, %slice3A_432, %eq3A_433 : vector<512x128xf32>
    %add3A_435 = arith.constant 3456 : i32
    %add3A_436 = vector.broadcast %add3A_435 : i32 to vector<512x128xi32>
    %add3A_437 = arith.addi %iota3A, %add3A_436 : vector<512x128xi32>
    %jit3A_438 = arith.constant 8192 : i32
    %broadcast_in_dim3A_439 = vector.broadcast %jit3A_438 : i32 to vector<512x128xi32>
    %select_n3A_440 = arith.select %eq3A_434, %add3A_437, %broadcast_in_dim3A_439 : vector<512x128xi1>, vector<512x128xi32>
    %min3A_441 = arith.minsi %min3A_431, %select_n3A_440 : vector<512x128xi32>
    %slice3A_442 = vector.extract_strided_slice %sqrt3A {offsets = [0, 3584], sizes = [512, 128], strides = [1, 1]} : vector<512x8192xf32> to vector<512x128xf32>
    %eq3A_443 = vector.broadcast %broadcast_in_dim3A_362 : vector<512x1xf32> to vector<512x128xf32>
    %eq3A_444 = arith.cmpf oeq, %slice3A_442, %eq3A_443 : vector<512x128xf32>
    %add3A_445 = arith.constant 3584 : i32
    %add3A_446 = vector.broadcast %add3A_445 : i32 to vector<512x128xi32>
    %add3A_447 = arith.addi %iota3A, %add3A_446 : vector<512x128xi32>
    %jit3A_448 = arith.constant 8192 : i32
    %broadcast_in_dim3A_449 = vector.broadcast %jit3A_448 : i32 to vector<512x128xi32>
    %select_n3A_450 = arith.select %eq3A_444, %add3A_447, %broadcast_in_dim3A_449 : vector<512x128xi1>, vector<512x128xi32>
    %min3A_451 = arith.minsi %min3A_441, %select_n3A_450 : vector<512x128xi32>
    %slice3A_452 = vector.extract_strided_slice %sqrt3A {offsets = [0, 3712], sizes = [512, 128], strides = [1, 1]} : vector<512x8192xf32> to vector<512x128xf32>
    %eq3A_453 = vector.broadcast %broadcast_in_dim3A_362 : vector<512x1xf32> to vector<512x128xf32>
    %eq3A_454 = arith.cmpf oeq, %slice3A_452, %eq3A_453 : vector<512x128xf32>
    %add3A_455 = arith.constant 3712 : i32
    %add3A_456 = vector.broadcast %add3A_455 : i32 to vector<512x128xi32>
    %add3A_457 = arith.addi %iota3A, %add3A_456 : vector<512x128xi32>
    %jit3A_458 = arith.constant 8192 : i32
    %broadcast_in_dim3A_459 = vector.broadcast %jit3A_458 : i32 to vector<512x128xi32>
    %select_n3A_460 = arith.select %eq3A_454, %add3A_457, %broadcast_in_dim3A_459 : vector<512x128xi1>, vector<512x128xi32>
    %min3A_461 = arith.minsi %min3A_451, %select_n3A_460 : vector<512x128xi32>
    %slice3A_462 = vector.extract_strided_slice %sqrt3A {offsets = [0, 3840], sizes = [512, 128], strides = [1, 1]} : vector<512x8192xf32> to vector<512x128xf32>
    %eq3A_463 = vector.broadcast %broadcast_in_dim3A_362 : vector<512x1xf32> to vector<512x128xf32>
    %eq3A_464 = arith.cmpf oeq, %slice3A_462, %eq3A_463 : vector<512x128xf32>
    %add3A_465 = arith.constant 3840 : i32
    %add3A_466 = vector.broadcast %add3A_465 : i32 to vector<512x128xi32>
    %add3A_467 = arith.addi %iota3A, %add3A_466 : vector<512x128xi32>
    %jit3A_468 = arith.constant 8192 : i32
    %broadcast_in_dim3A_469 = vector.broadcast %jit3A_468 : i32 to vector<512x128xi32>
    %select_n3A_470 = arith.select %eq3A_464, %add3A_467, %broadcast_in_dim3A_469 : vector<512x128xi1>, vector<512x128xi32>
    %min3A_471 = arith.minsi %min3A_461, %select_n3A_470 : vector<512x128xi32>
    %slice3A_472 = vector.extract_strided_slice %sqrt3A {offsets = [0, 3968], sizes = [512, 128], strides = [1, 1]} : vector<512x8192xf32> to vector<512x128xf32>
    %eq3A_473 = vector.broadcast %broadcast_in_dim3A_362 : vector<512x1xf32> to vector<512x128xf32>
    %eq3A_474 = arith.cmpf oeq, %slice3A_472, %eq3A_473 : vector<512x128xf32>
    %add3A_475 = arith.constant 3968 : i32
    %add3A_476 = vector.broadcast %add3A_475 : i32 to vector<512x128xi32>
    %add3A_477 = arith.addi %iota3A, %add3A_476 : vector<512x128xi32>
    %jit3A_478 = arith.constant 8192 : i32
    %broadcast_in_dim3A_479 = vector.broadcast %jit3A_478 : i32 to vector<512x128xi32>
    %select_n3A_480 = arith.select %eq3A_474, %add3A_477, %broadcast_in_dim3A_479 : vector<512x128xi1>, vector<512x128xi32>
    %min3A_481 = arith.minsi %min3A_471, %select_n3A_480 : vector<512x128xi32>
    %slice3A_482 = vector.extract_strided_slice %sqrt3A {offsets = [0, 4096], sizes = [512, 128], strides = [1, 1]} : vector<512x8192xf32> to vector<512x128xf32>
    %eq3A_483 = vector.broadcast %broadcast_in_dim3A_362 : vector<512x1xf32> to vector<512x128xf32>
    %eq3A_484 = arith.cmpf oeq, %slice3A_482, %eq3A_483 : vector<512x128xf32>
    %add3A_485 = arith.constant 4096 : i32
    %add3A_486 = vector.broadcast %add3A_485 : i32 to vector<512x128xi32>
    %add3A_487 = arith.addi %iota3A, %add3A_486 : vector<512x128xi32>
    %jit3A_488 = arith.constant 8192 : i32
    %broadcast_in_dim3A_489 = vector.broadcast %jit3A_488 : i32 to vector<512x128xi32>
    %select_n3A_490 = arith.select %eq3A_484, %add3A_487, %broadcast_in_dim3A_489 : vector<512x128xi1>, vector<512x128xi32>
    %min3A_491 = arith.minsi %min3A_481, %select_n3A_490 : vector<512x128xi32>
    %slice3A_492 = vector.extract_strided_slice %sqrt3A {offsets = [0, 4224], sizes = [512, 128], strides = [1, 1]} : vector<512x8192xf32> to vector<512x128xf32>
    %eq3A_493 = vector.broadcast %broadcast_in_dim3A_362 : vector<512x1xf32> to vector<512x128xf32>
    %eq3A_494 = arith.cmpf oeq, %slice3A_492, %eq3A_493 : vector<512x128xf32>
    %add3A_495 = arith.constant 4224 : i32
    %add3A_496 = vector.broadcast %add3A_495 : i32 to vector<512x128xi32>
    %add3A_497 = arith.addi %iota3A, %add3A_496 : vector<512x128xi32>
    %jit3A_498 = arith.constant 8192 : i32
    %broadcast_in_dim3A_499 = vector.broadcast %jit3A_498 : i32 to vector<512x128xi32>
    %select_n3A_500 = arith.select %eq3A_494, %add3A_497, %broadcast_in_dim3A_499 : vector<512x128xi1>, vector<512x128xi32>
    %min3A_501 = arith.minsi %min3A_491, %select_n3A_500 : vector<512x128xi32>
    %slice3A_502 = vector.extract_strided_slice %sqrt3A {offsets = [0, 4352], sizes = [512, 128], strides = [1, 1]} : vector<512x8192xf32> to vector<512x128xf32>
    %eq3A_503 = vector.broadcast %broadcast_in_dim3A_362 : vector<512x1xf32> to vector<512x128xf32>
    %eq3A_504 = arith.cmpf oeq, %slice3A_502, %eq3A_503 : vector<512x128xf32>
    %add3A_505 = arith.constant 4352 : i32
    %add3A_506 = vector.broadcast %add3A_505 : i32 to vector<512x128xi32>
    %add3A_507 = arith.addi %iota3A, %add3A_506 : vector<512x128xi32>
    %jit3A_508 = arith.constant 8192 : i32
    %broadcast_in_dim3A_509 = vector.broadcast %jit3A_508 : i32 to vector<512x128xi32>
    %select_n3A_510 = arith.select %eq3A_504, %add3A_507, %broadcast_in_dim3A_509 : vector<512x128xi1>, vector<512x128xi32>
    %min3A_511 = arith.minsi %min3A_501, %select_n3A_510 : vector<512x128xi32>
    %slice3A_512 = vector.extract_strided_slice %sqrt3A {offsets = [0, 4480], sizes = [512, 128], strides = [1, 1]} : vector<512x8192xf32> to vector<512x128xf32>
    %eq3A_513 = vector.broadcast %broadcast_in_dim3A_362 : vector<512x1xf32> to vector<512x128xf32>
    %eq3A_514 = arith.cmpf oeq, %slice3A_512, %eq3A_513 : vector<512x128xf32>
    %add3A_515 = arith.constant 4480 : i32
    %add3A_516 = vector.broadcast %add3A_515 : i32 to vector<512x128xi32>
    %add3A_517 = arith.addi %iota3A, %add3A_516 : vector<512x128xi32>
    %jit3A_518 = arith.constant 8192 : i32
    %broadcast_in_dim3A_519 = vector.broadcast %jit3A_518 : i32 to vector<512x128xi32>
    %select_n3A_520 = arith.select %eq3A_514, %add3A_517, %broadcast_in_dim3A_519 : vector<512x128xi1>, vector<512x128xi32>
    %min3A_521 = arith.minsi %min3A_511, %select_n3A_520 : vector<512x128xi32>
    %slice3A_522 = vector.extract_strided_slice %sqrt3A {offsets = [0, 4608], sizes = [512, 128], strides = [1, 1]} : vector<512x8192xf32> to vector<512x128xf32>
    %eq3A_523 = vector.broadcast %broadcast_in_dim3A_362 : vector<512x1xf32> to vector<512x128xf32>
    %eq3A_524 = arith.cmpf oeq, %slice3A_522, %eq3A_523 : vector<512x128xf32>
    %add3A_525 = arith.constant 4608 : i32
    %add3A_526 = vector.broadcast %add3A_525 : i32 to vector<512x128xi32>
    %add3A_527 = arith.addi %iota3A, %add3A_526 : vector<512x128xi32>
    %jit3A_528 = arith.constant 8192 : i32
    %broadcast_in_dim3A_529 = vector.broadcast %jit3A_528 : i32 to vector<512x128xi32>
    %select_n3A_530 = arith.select %eq3A_524, %add3A_527, %broadcast_in_dim3A_529 : vector<512x128xi1>, vector<512x128xi32>
    %min3A_531 = arith.minsi %min3A_521, %select_n3A_530 : vector<512x128xi32>
    %slice3A_532 = vector.extract_strided_slice %sqrt3A {offsets = [0, 4736], sizes = [512, 128], strides = [1, 1]} : vector<512x8192xf32> to vector<512x128xf32>
    %eq3A_533 = vector.broadcast %broadcast_in_dim3A_362 : vector<512x1xf32> to vector<512x128xf32>
    %eq3A_534 = arith.cmpf oeq, %slice3A_532, %eq3A_533 : vector<512x128xf32>
    %add3A_535 = arith.constant 4736 : i32
    %add3A_536 = vector.broadcast %add3A_535 : i32 to vector<512x128xi32>
    %add3A_537 = arith.addi %iota3A, %add3A_536 : vector<512x128xi32>
    %jit3A_538 = arith.constant 8192 : i32
    %broadcast_in_dim3A_539 = vector.broadcast %jit3A_538 : i32 to vector<512x128xi32>
    %select_n3A_540 = arith.select %eq3A_534, %add3A_537, %broadcast_in_dim3A_539 : vector<512x128xi1>, vector<512x128xi32>
    %min3A_541 = arith.minsi %min3A_531, %select_n3A_540 : vector<512x128xi32>
    %slice3A_542 = vector.extract_strided_slice %sqrt3A {offsets = [0, 4864], sizes = [512, 128], strides = [1, 1]} : vector<512x8192xf32> to vector<512x128xf32>
    %eq3A_543 = vector.broadcast %broadcast_in_dim3A_362 : vector<512x1xf32> to vector<512x128xf32>
    %eq3A_544 = arith.cmpf oeq, %slice3A_542, %eq3A_543 : vector<512x128xf32>
    %add3A_545 = arith.constant 4864 : i32
    %add3A_546 = vector.broadcast %add3A_545 : i32 to vector<512x128xi32>
    %add3A_547 = arith.addi %iota3A, %add3A_546 : vector<512x128xi32>
    %jit3A_548 = arith.constant 8192 : i32
    %broadcast_in_dim3A_549 = vector.broadcast %jit3A_548 : i32 to vector<512x128xi32>
    %select_n3A_550 = arith.select %eq3A_544, %add3A_547, %broadcast_in_dim3A_549 : vector<512x128xi1>, vector<512x128xi32>
    %min3A_551 = arith.minsi %min3A_541, %select_n3A_550 : vector<512x128xi32>
    %slice3A_552 = vector.extract_strided_slice %sqrt3A {offsets = [0, 4992], sizes = [512, 128], strides = [1, 1]} : vector<512x8192xf32> to vector<512x128xf32>
    %eq3A_553 = vector.broadcast %broadcast_in_dim3A_362 : vector<512x1xf32> to vector<512x128xf32>
    %eq3A_554 = arith.cmpf oeq, %slice3A_552, %eq3A_553 : vector<512x128xf32>
    %add3A_555 = arith.constant 4992 : i32
    %add3A_556 = vector.broadcast %add3A_555 : i32 to vector<512x128xi32>
    %add3A_557 = arith.addi %iota3A, %add3A_556 : vector<512x128xi32>
    %jit3A_558 = arith.constant 8192 : i32
    %broadcast_in_dim3A_559 = vector.broadcast %jit3A_558 : i32 to vector<512x128xi32>
    %select_n3A_560 = arith.select %eq3A_554, %add3A_557, %broadcast_in_dim3A_559 : vector<512x128xi1>, vector<512x128xi32>
    %min3A_561 = arith.minsi %min3A_551, %select_n3A_560 : vector<512x128xi32>
    %slice3A_562 = vector.extract_strided_slice %sqrt3A {offsets = [0, 5120], sizes = [512, 128], strides = [1, 1]} : vector<512x8192xf32> to vector<512x128xf32>
    %eq3A_563 = vector.broadcast %broadcast_in_dim3A_362 : vector<512x1xf32> to vector<512x128xf32>
    %eq3A_564 = arith.cmpf oeq, %slice3A_562, %eq3A_563 : vector<512x128xf32>
    %add3A_565 = arith.constant 5120 : i32
    %add3A_566 = vector.broadcast %add3A_565 : i32 to vector<512x128xi32>
    %add3A_567 = arith.addi %iota3A, %add3A_566 : vector<512x128xi32>
    %jit3A_568 = arith.constant 8192 : i32
    %broadcast_in_dim3A_569 = vector.broadcast %jit3A_568 : i32 to vector<512x128xi32>
    %select_n3A_570 = arith.select %eq3A_564, %add3A_567, %broadcast_in_dim3A_569 : vector<512x128xi1>, vector<512x128xi32>
    %min3A_571 = arith.minsi %min3A_561, %select_n3A_570 : vector<512x128xi32>
    %slice3A_572 = vector.extract_strided_slice %sqrt3A {offsets = [0, 5248], sizes = [512, 128], strides = [1, 1]} : vector<512x8192xf32> to vector<512x128xf32>
    %eq3A_573 = vector.broadcast %broadcast_in_dim3A_362 : vector<512x1xf32> to vector<512x128xf32>
    %eq3A_574 = arith.cmpf oeq, %slice3A_572, %eq3A_573 : vector<512x128xf32>
    %add3A_575 = arith.constant 5248 : i32
    %add3A_576 = vector.broadcast %add3A_575 : i32 to vector<512x128xi32>
    %add3A_577 = arith.addi %iota3A, %add3A_576 : vector<512x128xi32>
    %jit3A_578 = arith.constant 8192 : i32
    %broadcast_in_dim3A_579 = vector.broadcast %jit3A_578 : i32 to vector<512x128xi32>
    %select_n3A_580 = arith.select %eq3A_574, %add3A_577, %broadcast_in_dim3A_579 : vector<512x128xi1>, vector<512x128xi32>
    %min3A_581 = arith.minsi %min3A_571, %select_n3A_580 : vector<512x128xi32>
    %slice3A_582 = vector.extract_strided_slice %sqrt3A {offsets = [0, 5376], sizes = [512, 128], strides = [1, 1]} : vector<512x8192xf32> to vector<512x128xf32>
    %eq3A_583 = vector.broadcast %broadcast_in_dim3A_362 : vector<512x1xf32> to vector<512x128xf32>
    %eq3A_584 = arith.cmpf oeq, %slice3A_582, %eq3A_583 : vector<512x128xf32>
    %add3A_585 = arith.constant 5376 : i32
    %add3A_586 = vector.broadcast %add3A_585 : i32 to vector<512x128xi32>
    %add3A_587 = arith.addi %iota3A, %add3A_586 : vector<512x128xi32>
    %jit3A_588 = arith.constant 8192 : i32
    %broadcast_in_dim3A_589 = vector.broadcast %jit3A_588 : i32 to vector<512x128xi32>
    %select_n3A_590 = arith.select %eq3A_584, %add3A_587, %broadcast_in_dim3A_589 : vector<512x128xi1>, vector<512x128xi32>
    %ge3A_591 = arith.constant 0 : i32
    %ge3A_592 = vector.broadcast %ge3A_591 : i32 to vector<512x128xi32>
    %ge3A_593 = arith.cmpi sge, %iota3A, %ge3A_592 : vector<512x128xi32>
    %lt3A_594 = arith.constant 96 : i32
    %lt3A_595 = vector.broadcast %lt3A_594 : i32 to vector<512x128xi32>
    %lt3A_596 = arith.cmpi slt, %iota3A, %lt3A_595 : vector<512x128xi32>
    %and3A_597 = arith.andi %ge3A_593, %lt3A_596 : vector<512x128xi1>
    %jit3A_598 = arith.constant 8192 : i32
    %broadcast_in_dim3A_599 = vector.broadcast %jit3A_598 : i32 to vector<512x128xi32>
    %select_n3A_600 = arith.select %and3A_597, %select_n3A_590, %broadcast_in_dim3A_599 : vector<512x128xi1>, vector<512x128xi32>
    %min3A_601 = arith.minsi %min3A_581, %select_n3A_600 : vector<512x128xi32>
    %reduce_min3A_602 = arith.constant dense<2147483647> : vector<512xi32>
    %reduce_min3A_603 = vector.multi_reduction <minsi>, %min3A_601, %reduce_min3A_602 [1] : vector<512x128xi32> to vector<512xi32>
    %broadcast_in_dim3A_604 = vector.shape_cast %reduce_min3A_603 : vector<512xi32> to vector<512x1xi32>
    %convert_element_type3A_605 = arith.truncf %broadcast_in_dim3A_362 : vector<512x1xf32> to vector<512x1xbf16>
    %convert_element_type3A_606 = arith.extf %convert_element_type3A_605 : vector<512x1xbf16> to vector<512x1xf32>
    %lt3A_607 = arith.cmpf olt, %broadcast_in_dim3A_362, %convert_element_type3A_296 : vector<512x1xf32>
    %select_n3A_608 = arith.select %lt3A_607, %convert_element_type3A_606, %convert_element_type3A_296 : vector<512x1xi1>, vector<512x1xf32>
    %select_n3A_609 = arith.select %lt3A_607, %broadcast_in_dim3A_604, %broadcast_in_dim3A_295 : vector<512x1xi1>, vector<512x1xi32>
    %slice3A_610 = vector.extract_strided_slice %sqrt3A {offsets = [0, 5376], sizes = [512, 128], strides = [1, 1]} : vector<512x8192xf32> to vector<512x128xf32>
    %ge3A_611 = arith.constant 96 : i32
    %ge3A_612 = vector.broadcast %ge3A_611 : i32 to vector<512x128xi32>
    %ge3A_613 = arith.cmpi sge, %iota3A, %ge3A_612 : vector<512x128xi32>
    %lt3A_614 = arith.constant 128 : i32
    %lt3A_615 = vector.broadcast %lt3A_614 : i32 to vector<512x128xi32>
    %lt3A_616 = arith.cmpi slt, %iota3A, %lt3A_615 : vector<512x128xi32>
    %and3A_617 = arith.andi %ge3A_613, %lt3A_616 : vector<512x128xi1>
    %jit3A_618 = arith.constant 0x7F800000 : f32
    %broadcast_in_dim3A_619 = vector.broadcast %jit3A_618 : f32 to vector<512x128xf32>
    %select_n3A_620 = arith.select %and3A_617, %slice3A_610, %broadcast_in_dim3A_619 : vector<512x128xi1>, vector<512x128xf32>
    %slice3A_621 = vector.extract_strided_slice %sqrt3A {offsets = [0, 5504], sizes = [512, 128], strides = [1, 1]} : vector<512x8192xf32> to vector<512x128xf32>
    %min3A_622 = arith.minimumf %select_n3A_620, %slice3A_621 : vector<512x128xf32>
    %slice3A_623 = vector.extract_strided_slice %sqrt3A {offsets = [0, 5632], sizes = [512, 128], strides = [1, 1]} : vector<512x8192xf32> to vector<512x128xf32>
    %min3A_624 = arith.minimumf %min3A_622, %slice3A_623 : vector<512x128xf32>
    %slice3A_625 = vector.extract_strided_slice %sqrt3A {offsets = [0, 5760], sizes = [512, 128], strides = [1, 1]} : vector<512x8192xf32> to vector<512x128xf32>
    %min3A_626 = arith.minimumf %min3A_624, %slice3A_625 : vector<512x128xf32>
    %slice3A_627 = vector.extract_strided_slice %sqrt3A {offsets = [0, 5888], sizes = [512, 128], strides = [1, 1]} : vector<512x8192xf32> to vector<512x128xf32>
    %min3A_628 = arith.minimumf %min3A_626, %slice3A_627 : vector<512x128xf32>
    %slice3A_629 = vector.extract_strided_slice %sqrt3A {offsets = [0, 6016], sizes = [512, 128], strides = [1, 1]} : vector<512x8192xf32> to vector<512x128xf32>
    %min3A_630 = arith.minimumf %min3A_628, %slice3A_629 : vector<512x128xf32>
    %slice3A_631 = vector.extract_strided_slice %sqrt3A {offsets = [0, 6144], sizes = [512, 128], strides = [1, 1]} : vector<512x8192xf32> to vector<512x128xf32>
    %min3A_632 = arith.minimumf %min3A_630, %slice3A_631 : vector<512x128xf32>
    %slice3A_633 = vector.extract_strided_slice %sqrt3A {offsets = [0, 6272], sizes = [512, 128], strides = [1, 1]} : vector<512x8192xf32> to vector<512x128xf32>
    %min3A_634 = arith.minimumf %min3A_632, %slice3A_633 : vector<512x128xf32>
    %slice3A_635 = vector.extract_strided_slice %sqrt3A {offsets = [0, 6400], sizes = [512, 128], strides = [1, 1]} : vector<512x8192xf32> to vector<512x128xf32>
    %min3A_636 = arith.minimumf %min3A_634, %slice3A_635 : vector<512x128xf32>
    %slice3A_637 = vector.extract_strided_slice %sqrt3A {offsets = [0, 6528], sizes = [512, 128], strides = [1, 1]} : vector<512x8192xf32> to vector<512x128xf32>
    %min3A_638 = arith.minimumf %min3A_636, %slice3A_637 : vector<512x128xf32>
    %slice3A_639 = vector.extract_strided_slice %sqrt3A {offsets = [0, 6656], sizes = [512, 128], strides = [1, 1]} : vector<512x8192xf32> to vector<512x128xf32>
    %min3A_640 = arith.minimumf %min3A_638, %slice3A_639 : vector<512x128xf32>
    %slice3A_641 = vector.extract_strided_slice %sqrt3A {offsets = [0, 6784], sizes = [512, 128], strides = [1, 1]} : vector<512x8192xf32> to vector<512x128xf32>
    %min3A_642 = arith.minimumf %min3A_640, %slice3A_641 : vector<512x128xf32>
    %slice3A_643 = vector.extract_strided_slice %sqrt3A {offsets = [0, 6912], sizes = [512, 128], strides = [1, 1]} : vector<512x8192xf32> to vector<512x128xf32>
    %min3A_644 = arith.minimumf %min3A_642, %slice3A_643 : vector<512x128xf32>
    %slice3A_645 = vector.extract_strided_slice %sqrt3A {offsets = [0, 7040], sizes = [512, 128], strides = [1, 1]} : vector<512x8192xf32> to vector<512x128xf32>
    %min3A_646 = arith.minimumf %min3A_644, %slice3A_645 : vector<512x128xf32>
    %slice3A_647 = vector.extract_strided_slice %sqrt3A {offsets = [0, 7168], sizes = [512, 128], strides = [1, 1]} : vector<512x8192xf32> to vector<512x128xf32>
    %min3A_648 = arith.minimumf %min3A_646, %slice3A_647 : vector<512x128xf32>
    %slice3A_649 = vector.extract_strided_slice %sqrt3A {offsets = [0, 7296], sizes = [512, 128], strides = [1, 1]} : vector<512x8192xf32> to vector<512x128xf32>
    %min3A_650 = arith.minimumf %min3A_648, %slice3A_649 : vector<512x128xf32>
    %slice3A_651 = vector.extract_strided_slice %sqrt3A {offsets = [0, 7424], sizes = [512, 128], strides = [1, 1]} : vector<512x8192xf32> to vector<512x128xf32>
    %min3A_652 = arith.minimumf %min3A_650, %slice3A_651 : vector<512x128xf32>
    %slice3A_653 = vector.extract_strided_slice %sqrt3A {offsets = [0, 7552], sizes = [512, 128], strides = [1, 1]} : vector<512x8192xf32> to vector<512x128xf32>
    %min3A_654 = arith.minimumf %min3A_652, %slice3A_653 : vector<512x128xf32>
    %slice3A_655 = vector.extract_strided_slice %sqrt3A {offsets = [0, 7680], sizes = [512, 128], strides = [1, 1]} : vector<512x8192xf32> to vector<512x128xf32>
    %min3A_656 = arith.minimumf %min3A_654, %slice3A_655 : vector<512x128xf32>
    %slice3A_657 = vector.extract_strided_slice %sqrt3A {offsets = [0, 7808], sizes = [512, 128], strides = [1, 1]} : vector<512x8192xf32> to vector<512x128xf32>
    %min3A_658 = arith.minimumf %min3A_656, %slice3A_657 : vector<512x128xf32>
    %slice3A_659 = vector.extract_strided_slice %sqrt3A {offsets = [0, 7936], sizes = [512, 128], strides = [1, 1]} : vector<512x8192xf32> to vector<512x128xf32>
    %min3A_660 = arith.minimumf %min3A_658, %slice3A_659 : vector<512x128xf32>
    %slice3A_661 = vector.extract_strided_slice %sqrt3A {offsets = [0, 8064], sizes = [512, 128], strides = [1, 1]} : vector<512x8192xf32> to vector<512x128xf32>
    %min3A_662 = arith.minimumf %min3A_660, %slice3A_661 : vector<512x128xf32>
    %reduce_min3A_663 = arith.constant dense<0x7F800000> : vector<512xf32>
    %reduce_min3A_664 = vector.multi_reduction <minimumf>, %min3A_662, %reduce_min3A_663 [1] : vector<512x128xf32> to vector<512xf32>
    %broadcast_in_dim3A_665 = vector.shape_cast %reduce_min3A_664 : vector<512xf32> to vector<512x1xf32>
    %slice3A_666 = vector.extract_strided_slice %sqrt3A {offsets = [0, 5376], sizes = [512, 128], strides = [1, 1]} : vector<512x8192xf32> to vector<512x128xf32>
    %eq3A_667 = vector.broadcast %broadcast_in_dim3A_665 : vector<512x1xf32> to vector<512x128xf32>
    %eq3A_668 = arith.cmpf oeq, %slice3A_666, %eq3A_667 : vector<512x128xf32>
    %add3A_669 = arith.constant 5376 : i32
    %add3A_670 = vector.broadcast %add3A_669 : i32 to vector<512x128xi32>
    %add3A_671 = arith.addi %iota3A, %add3A_670 : vector<512x128xi32>
    %jit3A_672 = arith.constant 8192 : i32
    %broadcast_in_dim3A_673 = vector.broadcast %jit3A_672 : i32 to vector<512x128xi32>
    %select_n3A_674 = arith.select %eq3A_668, %add3A_671, %broadcast_in_dim3A_673 : vector<512x128xi1>, vector<512x128xi32>
    %ge3A_675 = arith.constant 96 : i32
    %ge3A_676 = vector.broadcast %ge3A_675 : i32 to vector<512x128xi32>
    %ge3A_677 = arith.cmpi sge, %iota3A, %ge3A_676 : vector<512x128xi32>
    %lt3A_678 = arith.constant 128 : i32
    %lt3A_679 = vector.broadcast %lt3A_678 : i32 to vector<512x128xi32>
    %lt3A_680 = arith.cmpi slt, %iota3A, %lt3A_679 : vector<512x128xi32>
    %and3A_681 = arith.andi %ge3A_677, %lt3A_680 : vector<512x128xi1>
    %jit3A_682 = arith.constant 8192 : i32
    %broadcast_in_dim3A_683 = vector.broadcast %jit3A_682 : i32 to vector<512x128xi32>
    %select_n3A_684 = arith.select %and3A_681, %select_n3A_674, %broadcast_in_dim3A_683 : vector<512x128xi1>, vector<512x128xi32>
    %slice3A_685 = vector.extract_strided_slice %sqrt3A {offsets = [0, 5504], sizes = [512, 128], strides = [1, 1]} : vector<512x8192xf32> to vector<512x128xf32>
    %eq3A_686 = vector.broadcast %broadcast_in_dim3A_665 : vector<512x1xf32> to vector<512x128xf32>
    %eq3A_687 = arith.cmpf oeq, %slice3A_685, %eq3A_686 : vector<512x128xf32>
    %add3A_688 = arith.constant 5504 : i32
    %add3A_689 = vector.broadcast %add3A_688 : i32 to vector<512x128xi32>
    %add3A_690 = arith.addi %iota3A, %add3A_689 : vector<512x128xi32>
    %jit3A_691 = arith.constant 8192 : i32
    %broadcast_in_dim3A_692 = vector.broadcast %jit3A_691 : i32 to vector<512x128xi32>
    %select_n3A_693 = arith.select %eq3A_687, %add3A_690, %broadcast_in_dim3A_692 : vector<512x128xi1>, vector<512x128xi32>
    %min3A_694 = arith.minsi %select_n3A_684, %select_n3A_693 : vector<512x128xi32>
    %slice3A_695 = vector.extract_strided_slice %sqrt3A {offsets = [0, 5632], sizes = [512, 128], strides = [1, 1]} : vector<512x8192xf32> to vector<512x128xf32>
    %eq3A_696 = vector.broadcast %broadcast_in_dim3A_665 : vector<512x1xf32> to vector<512x128xf32>
    %eq3A_697 = arith.cmpf oeq, %slice3A_695, %eq3A_696 : vector<512x128xf32>
    %add3A_698 = arith.constant 5632 : i32
    %add3A_699 = vector.broadcast %add3A_698 : i32 to vector<512x128xi32>
    %add3A_700 = arith.addi %iota3A, %add3A_699 : vector<512x128xi32>
    %jit3A_701 = arith.constant 8192 : i32
    %broadcast_in_dim3A_702 = vector.broadcast %jit3A_701 : i32 to vector<512x128xi32>
    %select_n3A_703 = arith.select %eq3A_697, %add3A_700, %broadcast_in_dim3A_702 : vector<512x128xi1>, vector<512x128xi32>
    %min3A_704 = arith.minsi %min3A_694, %select_n3A_703 : vector<512x128xi32>
    %slice3A_705 = vector.extract_strided_slice %sqrt3A {offsets = [0, 5760], sizes = [512, 128], strides = [1, 1]} : vector<512x8192xf32> to vector<512x128xf32>
    %eq3A_706 = vector.broadcast %broadcast_in_dim3A_665 : vector<512x1xf32> to vector<512x128xf32>
    %eq3A_707 = arith.cmpf oeq, %slice3A_705, %eq3A_706 : vector<512x128xf32>
    %add3A_708 = arith.constant 5760 : i32
    %add3A_709 = vector.broadcast %add3A_708 : i32 to vector<512x128xi32>
    %add3A_710 = arith.addi %iota3A, %add3A_709 : vector<512x128xi32>
    %jit3A_711 = arith.constant 8192 : i32
    %broadcast_in_dim3A_712 = vector.broadcast %jit3A_711 : i32 to vector<512x128xi32>
    %select_n3A_713 = arith.select %eq3A_707, %add3A_710, %broadcast_in_dim3A_712 : vector<512x128xi1>, vector<512x128xi32>
    %min3A_714 = arith.minsi %min3A_704, %select_n3A_713 : vector<512x128xi32>
    %slice3A_715 = vector.extract_strided_slice %sqrt3A {offsets = [0, 5888], sizes = [512, 128], strides = [1, 1]} : vector<512x8192xf32> to vector<512x128xf32>
    %eq3A_716 = vector.broadcast %broadcast_in_dim3A_665 : vector<512x1xf32> to vector<512x128xf32>
    %eq3A_717 = arith.cmpf oeq, %slice3A_715, %eq3A_716 : vector<512x128xf32>
    %add3A_718 = arith.constant 5888 : i32
    %add3A_719 = vector.broadcast %add3A_718 : i32 to vector<512x128xi32>
    %add3A_720 = arith.addi %iota3A, %add3A_719 : vector<512x128xi32>
    %jit3A_721 = arith.constant 8192 : i32
    %broadcast_in_dim3A_722 = vector.broadcast %jit3A_721 : i32 to vector<512x128xi32>
    %select_n3A_723 = arith.select %eq3A_717, %add3A_720, %broadcast_in_dim3A_722 : vector<512x128xi1>, vector<512x128xi32>
    %min3A_724 = arith.minsi %min3A_714, %select_n3A_723 : vector<512x128xi32>
    %slice3A_725 = vector.extract_strided_slice %sqrt3A {offsets = [0, 6016], sizes = [512, 128], strides = [1, 1]} : vector<512x8192xf32> to vector<512x128xf32>
    %eq3A_726 = vector.broadcast %broadcast_in_dim3A_665 : vector<512x1xf32> to vector<512x128xf32>
    %eq3A_727 = arith.cmpf oeq, %slice3A_725, %eq3A_726 : vector<512x128xf32>
    %add3A_728 = arith.constant 6016 : i32
    %add3A_729 = vector.broadcast %add3A_728 : i32 to vector<512x128xi32>
    %add3A_730 = arith.addi %iota3A, %add3A_729 : vector<512x128xi32>
    %jit3A_731 = arith.constant 8192 : i32
    %broadcast_in_dim3A_732 = vector.broadcast %jit3A_731 : i32 to vector<512x128xi32>
    %select_n3A_733 = arith.select %eq3A_727, %add3A_730, %broadcast_in_dim3A_732 : vector<512x128xi1>, vector<512x128xi32>
    %min3A_734 = arith.minsi %min3A_724, %select_n3A_733 : vector<512x128xi32>
    %slice3A_735 = vector.extract_strided_slice %sqrt3A {offsets = [0, 6144], sizes = [512, 128], strides = [1, 1]} : vector<512x8192xf32> to vector<512x128xf32>
    %eq3A_736 = vector.broadcast %broadcast_in_dim3A_665 : vector<512x1xf32> to vector<512x128xf32>
    %eq3A_737 = arith.cmpf oeq, %slice3A_735, %eq3A_736 : vector<512x128xf32>
    %add3A_738 = arith.constant 6144 : i32
    %add3A_739 = vector.broadcast %add3A_738 : i32 to vector<512x128xi32>
    %add3A_740 = arith.addi %iota3A, %add3A_739 : vector<512x128xi32>
    %jit3A_741 = arith.constant 8192 : i32
    %broadcast_in_dim3A_742 = vector.broadcast %jit3A_741 : i32 to vector<512x128xi32>
    %select_n3A_743 = arith.select %eq3A_737, %add3A_740, %broadcast_in_dim3A_742 : vector<512x128xi1>, vector<512x128xi32>
    %min3A_744 = arith.minsi %min3A_734, %select_n3A_743 : vector<512x128xi32>
    %slice3A_745 = vector.extract_strided_slice %sqrt3A {offsets = [0, 6272], sizes = [512, 128], strides = [1, 1]} : vector<512x8192xf32> to vector<512x128xf32>
    %eq3A_746 = vector.broadcast %broadcast_in_dim3A_665 : vector<512x1xf32> to vector<512x128xf32>
    %eq3A_747 = arith.cmpf oeq, %slice3A_745, %eq3A_746 : vector<512x128xf32>
    %add3A_748 = arith.constant 6272 : i32
    %add3A_749 = vector.broadcast %add3A_748 : i32 to vector<512x128xi32>
    %add3A_750 = arith.addi %iota3A, %add3A_749 : vector<512x128xi32>
    %jit3A_751 = arith.constant 8192 : i32
    %broadcast_in_dim3A_752 = vector.broadcast %jit3A_751 : i32 to vector<512x128xi32>
    %select_n3A_753 = arith.select %eq3A_747, %add3A_750, %broadcast_in_dim3A_752 : vector<512x128xi1>, vector<512x128xi32>
    %min3A_754 = arith.minsi %min3A_744, %select_n3A_753 : vector<512x128xi32>
    %slice3A_755 = vector.extract_strided_slice %sqrt3A {offsets = [0, 6400], sizes = [512, 128], strides = [1, 1]} : vector<512x8192xf32> to vector<512x128xf32>
    %eq3A_756 = vector.broadcast %broadcast_in_dim3A_665 : vector<512x1xf32> to vector<512x128xf32>
    %eq3A_757 = arith.cmpf oeq, %slice3A_755, %eq3A_756 : vector<512x128xf32>
    %add3A_758 = arith.constant 6400 : i32
    %add3A_759 = vector.broadcast %add3A_758 : i32 to vector<512x128xi32>
    %add3A_760 = arith.addi %iota3A, %add3A_759 : vector<512x128xi32>
    %jit3A_761 = arith.constant 8192 : i32
    %broadcast_in_dim3A_762 = vector.broadcast %jit3A_761 : i32 to vector<512x128xi32>
    %select_n3A_763 = arith.select %eq3A_757, %add3A_760, %broadcast_in_dim3A_762 : vector<512x128xi1>, vector<512x128xi32>
    %min3A_764 = arith.minsi %min3A_754, %select_n3A_763 : vector<512x128xi32>
    %slice3A_765 = vector.extract_strided_slice %sqrt3A {offsets = [0, 6528], sizes = [512, 128], strides = [1, 1]} : vector<512x8192xf32> to vector<512x128xf32>
    %eq3A_766 = vector.broadcast %broadcast_in_dim3A_665 : vector<512x1xf32> to vector<512x128xf32>
    %eq3A_767 = arith.cmpf oeq, %slice3A_765, %eq3A_766 : vector<512x128xf32>
    %add3A_768 = arith.constant 6528 : i32
    %add3A_769 = vector.broadcast %add3A_768 : i32 to vector<512x128xi32>
    %add3A_770 = arith.addi %iota3A, %add3A_769 : vector<512x128xi32>
    %jit3A_771 = arith.constant 8192 : i32
    %broadcast_in_dim3A_772 = vector.broadcast %jit3A_771 : i32 to vector<512x128xi32>
    %select_n3A_773 = arith.select %eq3A_767, %add3A_770, %broadcast_in_dim3A_772 : vector<512x128xi1>, vector<512x128xi32>
    %min3A_774 = arith.minsi %min3A_764, %select_n3A_773 : vector<512x128xi32>
    %slice3A_775 = vector.extract_strided_slice %sqrt3A {offsets = [0, 6656], sizes = [512, 128], strides = [1, 1]} : vector<512x8192xf32> to vector<512x128xf32>
    %eq3A_776 = vector.broadcast %broadcast_in_dim3A_665 : vector<512x1xf32> to vector<512x128xf32>
    %eq3A_777 = arith.cmpf oeq, %slice3A_775, %eq3A_776 : vector<512x128xf32>
    %add3A_778 = arith.constant 6656 : i32
    %add3A_779 = vector.broadcast %add3A_778 : i32 to vector<512x128xi32>
    %add3A_780 = arith.addi %iota3A, %add3A_779 : vector<512x128xi32>
    %jit3A_781 = arith.constant 8192 : i32
    %broadcast_in_dim3A_782 = vector.broadcast %jit3A_781 : i32 to vector<512x128xi32>
    %select_n3A_783 = arith.select %eq3A_777, %add3A_780, %broadcast_in_dim3A_782 : vector<512x128xi1>, vector<512x128xi32>
    %min3A_784 = arith.minsi %min3A_774, %select_n3A_783 : vector<512x128xi32>
    %slice3A_785 = vector.extract_strided_slice %sqrt3A {offsets = [0, 6784], sizes = [512, 128], strides = [1, 1]} : vector<512x8192xf32> to vector<512x128xf32>
    %eq3A_786 = vector.broadcast %broadcast_in_dim3A_665 : vector<512x1xf32> to vector<512x128xf32>
    %eq3A_787 = arith.cmpf oeq, %slice3A_785, %eq3A_786 : vector<512x128xf32>
    %add3A_788 = arith.constant 6784 : i32
    %add3A_789 = vector.broadcast %add3A_788 : i32 to vector<512x128xi32>
    %add3A_790 = arith.addi %iota3A, %add3A_789 : vector<512x128xi32>
    %jit3A_791 = arith.constant 8192 : i32
    %broadcast_in_dim3A_792 = vector.broadcast %jit3A_791 : i32 to vector<512x128xi32>
    %select_n3A_793 = arith.select %eq3A_787, %add3A_790, %broadcast_in_dim3A_792 : vector<512x128xi1>, vector<512x128xi32>
    %min3A_794 = arith.minsi %min3A_784, %select_n3A_793 : vector<512x128xi32>
    %slice3A_795 = vector.extract_strided_slice %sqrt3A {offsets = [0, 6912], sizes = [512, 128], strides = [1, 1]} : vector<512x8192xf32> to vector<512x128xf32>
    %eq3A_796 = vector.broadcast %broadcast_in_dim3A_665 : vector<512x1xf32> to vector<512x128xf32>
    %eq3A_797 = arith.cmpf oeq, %slice3A_795, %eq3A_796 : vector<512x128xf32>
    %add3A_798 = arith.constant 6912 : i32
    %add3A_799 = vector.broadcast %add3A_798 : i32 to vector<512x128xi32>
    %add3A_800 = arith.addi %iota3A, %add3A_799 : vector<512x128xi32>
    %jit3A_801 = arith.constant 8192 : i32
    %broadcast_in_dim3A_802 = vector.broadcast %jit3A_801 : i32 to vector<512x128xi32>
    %select_n3A_803 = arith.select %eq3A_797, %add3A_800, %broadcast_in_dim3A_802 : vector<512x128xi1>, vector<512x128xi32>
    %min3A_804 = arith.minsi %min3A_794, %select_n3A_803 : vector<512x128xi32>
    %slice3A_805 = vector.extract_strided_slice %sqrt3A {offsets = [0, 7040], sizes = [512, 128], strides = [1, 1]} : vector<512x8192xf32> to vector<512x128xf32>
    %eq3A_806 = vector.broadcast %broadcast_in_dim3A_665 : vector<512x1xf32> to vector<512x128xf32>
    %eq3A_807 = arith.cmpf oeq, %slice3A_805, %eq3A_806 : vector<512x128xf32>
    %add3A_808 = arith.constant 7040 : i32
    %add3A_809 = vector.broadcast %add3A_808 : i32 to vector<512x128xi32>
    %add3A_810 = arith.addi %iota3A, %add3A_809 : vector<512x128xi32>
    %jit3A_811 = arith.constant 8192 : i32
    %broadcast_in_dim3A_812 = vector.broadcast %jit3A_811 : i32 to vector<512x128xi32>
    %select_n3A_813 = arith.select %eq3A_807, %add3A_810, %broadcast_in_dim3A_812 : vector<512x128xi1>, vector<512x128xi32>
    %min3A_814 = arith.minsi %min3A_804, %select_n3A_813 : vector<512x128xi32>
    %slice3A_815 = vector.extract_strided_slice %sqrt3A {offsets = [0, 7168], sizes = [512, 128], strides = [1, 1]} : vector<512x8192xf32> to vector<512x128xf32>
    %eq3A_816 = vector.broadcast %broadcast_in_dim3A_665 : vector<512x1xf32> to vector<512x128xf32>
    %eq3A_817 = arith.cmpf oeq, %slice3A_815, %eq3A_816 : vector<512x128xf32>
    %add3A_818 = arith.constant 7168 : i32
    %add3A_819 = vector.broadcast %add3A_818 : i32 to vector<512x128xi32>
    %add3A_820 = arith.addi %iota3A, %add3A_819 : vector<512x128xi32>
    %jit3A_821 = arith.constant 8192 : i32
    %broadcast_in_dim3A_822 = vector.broadcast %jit3A_821 : i32 to vector<512x128xi32>
    %select_n3A_823 = arith.select %eq3A_817, %add3A_820, %broadcast_in_dim3A_822 : vector<512x128xi1>, vector<512x128xi32>
    %min3A_824 = arith.minsi %min3A_814, %select_n3A_823 : vector<512x128xi32>
    %slice3A_825 = vector.extract_strided_slice %sqrt3A {offsets = [0, 7296], sizes = [512, 128], strides = [1, 1]} : vector<512x8192xf32> to vector<512x128xf32>
    %eq3A_826 = vector.broadcast %broadcast_in_dim3A_665 : vector<512x1xf32> to vector<512x128xf32>
    %eq3A_827 = arith.cmpf oeq, %slice3A_825, %eq3A_826 : vector<512x128xf32>
    %add3A_828 = arith.constant 7296 : i32
    %add3A_829 = vector.broadcast %add3A_828 : i32 to vector<512x128xi32>
    %add3A_830 = arith.addi %iota3A, %add3A_829 : vector<512x128xi32>
    %jit3A_831 = arith.constant 8192 : i32
    %broadcast_in_dim3A_832 = vector.broadcast %jit3A_831 : i32 to vector<512x128xi32>
    %select_n3A_833 = arith.select %eq3A_827, %add3A_830, %broadcast_in_dim3A_832 : vector<512x128xi1>, vector<512x128xi32>
    %min3A_834 = arith.minsi %min3A_824, %select_n3A_833 : vector<512x128xi32>
    %slice3A_835 = vector.extract_strided_slice %sqrt3A {offsets = [0, 7424], sizes = [512, 128], strides = [1, 1]} : vector<512x8192xf32> to vector<512x128xf32>
    %eq3A_836 = vector.broadcast %broadcast_in_dim3A_665 : vector<512x1xf32> to vector<512x128xf32>
    %eq3A_837 = arith.cmpf oeq, %slice3A_835, %eq3A_836 : vector<512x128xf32>
    %add3A_838 = arith.constant 7424 : i32
    %add3A_839 = vector.broadcast %add3A_838 : i32 to vector<512x128xi32>
    %add3A_840 = arith.addi %iota3A, %add3A_839 : vector<512x128xi32>
    %jit3A_841 = arith.constant 8192 : i32
    %broadcast_in_dim3A_842 = vector.broadcast %jit3A_841 : i32 to vector<512x128xi32>
    %select_n3A_843 = arith.select %eq3A_837, %add3A_840, %broadcast_in_dim3A_842 : vector<512x128xi1>, vector<512x128xi32>
    %min3A_844 = arith.minsi %min3A_834, %select_n3A_843 : vector<512x128xi32>
    %slice3A_845 = vector.extract_strided_slice %sqrt3A {offsets = [0, 7552], sizes = [512, 128], strides = [1, 1]} : vector<512x8192xf32> to vector<512x128xf32>
    %eq3A_846 = vector.broadcast %broadcast_in_dim3A_665 : vector<512x1xf32> to vector<512x128xf32>
    %eq3A_847 = arith.cmpf oeq, %slice3A_845, %eq3A_846 : vector<512x128xf32>
    %add3A_848 = arith.constant 7552 : i32
    %add3A_849 = vector.broadcast %add3A_848 : i32 to vector<512x128xi32>
    %add3A_850 = arith.addi %iota3A, %add3A_849 : vector<512x128xi32>
    %jit3A_851 = arith.constant 8192 : i32
    %broadcast_in_dim3A_852 = vector.broadcast %jit3A_851 : i32 to vector<512x128xi32>
    %select_n3A_853 = arith.select %eq3A_847, %add3A_850, %broadcast_in_dim3A_852 : vector<512x128xi1>, vector<512x128xi32>
    %min3A_854 = arith.minsi %min3A_844, %select_n3A_853 : vector<512x128xi32>
    %slice3A_855 = vector.extract_strided_slice %sqrt3A {offsets = [0, 7680], sizes = [512, 128], strides = [1, 1]} : vector<512x8192xf32> to vector<512x128xf32>
    %eq3A_856 = vector.broadcast %broadcast_in_dim3A_665 : vector<512x1xf32> to vector<512x128xf32>
    %eq3A_857 = arith.cmpf oeq, %slice3A_855, %eq3A_856 : vector<512x128xf32>
    %add3A_858 = arith.constant 7680 : i32
    %add3A_859 = vector.broadcast %add3A_858 : i32 to vector<512x128xi32>
    %add3A_860 = arith.addi %iota3A, %add3A_859 : vector<512x128xi32>
    %jit3A_861 = arith.constant 8192 : i32
    %broadcast_in_dim3A_862 = vector.broadcast %jit3A_861 : i32 to vector<512x128xi32>
    %select_n3A_863 = arith.select %eq3A_857, %add3A_860, %broadcast_in_dim3A_862 : vector<512x128xi1>, vector<512x128xi32>
    %min3A_864 = arith.minsi %min3A_854, %select_n3A_863 : vector<512x128xi32>
    %slice3A_865 = vector.extract_strided_slice %sqrt3A {offsets = [0, 7808], sizes = [512, 128], strides = [1, 1]} : vector<512x8192xf32> to vector<512x128xf32>
    %eq3A_866 = vector.broadcast %broadcast_in_dim3A_665 : vector<512x1xf32> to vector<512x128xf32>
    %eq3A_867 = arith.cmpf oeq, %slice3A_865, %eq3A_866 : vector<512x128xf32>
    %add3A_868 = arith.constant 7808 : i32
    %add3A_869 = vector.broadcast %add3A_868 : i32 to vector<512x128xi32>
    %add3A_870 = arith.addi %iota3A, %add3A_869 : vector<512x128xi32>
    %jit3A_871 = arith.constant 8192 : i32
    %broadcast_in_dim3A_872 = vector.broadcast %jit3A_871 : i32 to vector<512x128xi32>
    %select_n3A_873 = arith.select %eq3A_867, %add3A_870, %broadcast_in_dim3A_872 : vector<512x128xi1>, vector<512x128xi32>
    %min3A_874 = arith.minsi %min3A_864, %select_n3A_873 : vector<512x128xi32>
    %slice3A_875 = vector.extract_strided_slice %sqrt3A {offsets = [0, 7936], sizes = [512, 128], strides = [1, 1]} : vector<512x8192xf32> to vector<512x128xf32>
    %eq3A_876 = vector.broadcast %broadcast_in_dim3A_665 : vector<512x1xf32> to vector<512x128xf32>
    %eq3A_877 = arith.cmpf oeq, %slice3A_875, %eq3A_876 : vector<512x128xf32>
    %add3A_878 = arith.constant 7936 : i32
    %add3A_879 = vector.broadcast %add3A_878 : i32 to vector<512x128xi32>
    %add3A_880 = arith.addi %iota3A, %add3A_879 : vector<512x128xi32>
    %jit3A_881 = arith.constant 8192 : i32
    %broadcast_in_dim3A_882 = vector.broadcast %jit3A_881 : i32 to vector<512x128xi32>
    %select_n3A_883 = arith.select %eq3A_877, %add3A_880, %broadcast_in_dim3A_882 : vector<512x128xi1>, vector<512x128xi32>
    %min3A_884 = arith.minsi %min3A_874, %select_n3A_883 : vector<512x128xi32>
    %slice3A_885 = vector.extract_strided_slice %sqrt3A {offsets = [0, 8064], sizes = [512, 128], strides = [1, 1]} : vector<512x8192xf32> to vector<512x128xf32>
    %eq3A_886 = vector.broadcast %broadcast_in_dim3A_665 : vector<512x1xf32> to vector<512x128xf32>
    %eq3A_887 = arith.cmpf oeq, %slice3A_885, %eq3A_886 : vector<512x128xf32>
    %add3A_888 = arith.constant 8064 : i32
    %add3A_889 = vector.broadcast %add3A_888 : i32 to vector<512x128xi32>
    %add3A_890 = arith.addi %iota3A, %add3A_889 : vector<512x128xi32>
    %jit3A_891 = arith.constant 8192 : i32
    %broadcast_in_dim3A_892 = vector.broadcast %jit3A_891 : i32 to vector<512x128xi32>
    %select_n3A_893 = arith.select %eq3A_887, %add3A_890, %broadcast_in_dim3A_892 : vector<512x128xi1>, vector<512x128xi32>
    %min3A_894 = arith.minsi %min3A_884, %select_n3A_893 : vector<512x128xi32>
    %reduce_min3A_895 = arith.constant dense<2147483647> : vector<512xi32>
    %reduce_min3A_896 = vector.multi_reduction <minsi>, %min3A_894, %reduce_min3A_895 [1] : vector<512x128xi32> to vector<512xi32>
    %broadcast_in_dim3A_897 = vector.shape_cast %reduce_min3A_896 : vector<512xi32> to vector<512x1xi32>
    %lt3A_898 = arith.cmpf olt, %broadcast_in_dim3A_665, %select_n3A_608 : vector<512x1xf32>
    %select_n3A_899 = arith.select %lt3A_898, %broadcast_in_dim3A_897, %select_n3A_609 : vector<512x1xi1>, vector<512x1xi32>
    %squeeze3A = vector.shape_cast %select_n3A_899 : vector<512x1xi32> to vector<512xi32>
    %swap3A = arith.constant 0 : index
    %swap3A_900 = vector.load %arg5[%swap3A] : memref<512xi32, #tpu.memory_space<vmem>>, vector<512xi32>
    tpu.vector_store %arg5[%swap3A], %squeeze3A {strides = array<i32>} : memref<512xi32, #tpu.memory_space<vmem>>, vector<512xi32>,
    return
  }
  func.func @transform_0(%arg0: i32) -> (i32, i32) {
    %c0_i32 = arith.constant 0 : i32
    %c0_i32_0 = arith.constant 0 : i32
    return %arg0, %c0_i32 : i32, i32
  }
  func.func @transform_1(%arg0: i32) -> (i32, i32) {
    %c0_i32 = arith.constant 0 : i32
    %c0_i32_0 = arith.constant 0 : i32
    %c0_i32_1 = arith.constant 0 : i32
    return %c0_i32, %c0_i32_0 : i32, i32
  }
  func.func @transform_2(%arg0: i32) -> (i32, i32) {
    %c0_i32 = arith.constant 0 : i32
    %c0_i32_0 = arith.constant 0 : i32
    return %arg0, %c0_i32 : i32, i32
  }
  func.func @transform_3(%arg0: i32) -> (i32, i32) {
    %c0_i32 = arith.constant 0 : i32
    %c0_i32_0 = arith.constant 0 : i32
    %c0_i32_1 = arith.constant 0 : i32
    return %c0_i32, %c0_i32_0 : i32, i32
  }
  func.func @transform_4(%arg0: i32) -> i32 {
    %c0_i32 = arith.constant 0 : i32
    return %arg0 : i32
  }
}

</mosaic_0001>

<sc_bundles>
// kernel: kernel.4.cloned.1.call-start
scs
__scs_entry_jumppad:
0x0: {  	(pc) =	sbr.rel $0x88, $3  }
0x1: {  	(tag) =	ssettag $0x0;
	lr =	simm.s32 $0x1  }
0x2: {  	[smem:$0x3F9F] =	sst lr;
	_ =	strace $0xD0000000  }
0x3: {  	_ = 	snop  }
0x4: {  	_ = 	snop  }
0x5: {  	_ = 	snop  }
0x6: {  	_ = 	snop  }
0x7: {  	_ = 	snop  }
__scs_overlays_trampoline_lowered:
0x8: {  	[smem:$0x3FAE] =	sst s0  }
0x9: {  	[smem:$0x3FAF] =	sst s1  }
0xa: {  	[smem:$0x3FB0] =	sst s2  }
0xb: {  	[smem:$0x3FB1] =	sst s3  }
0xc: {  	[smem:$0x3FB2] =	sst s4  }
0xd: {  	[smem:$0x3FB3] =	sst s5  }
0xe: {  	[smem:$0x3FB4] =	sst s6  }
0xf: {  	[smem:$0x3FB5] =	sst s7  }
0x10: {  	[smem:$0x3FB6] =	sst s8  }
0x11: {  	[smem:$0x3FB7] =	sst s9;
	s0 =	simm.s32 @!p0 $0x0  }
0x12: {  	s1 =	sld [smem:$0x3F9D];
	s0 =	simm.s32 @p0 $0x1  }
0x13: {  	[smem:$0x3FB8] =	sst s0;
	s0 =	simm.s32 @!p1 $0x0  }
0x14: {  	s2 =	sld [smem:$0x3F9C];
	s0 =	simm.s32 @p1 $0x1  }
0x15: {  	[smem:$0x3FB9] =	sst s0;
	s0 =	simm.s32 @!p2 $0x0  }
0x16: {  	s3 =	sld [smem:$0x3FDB];
	s0 =	simm.s32 @p2 $0x1  }
0x17: {  	s4 =	simm.s32 $0x1BF5;
	[smem:$0x3FBB] =	sst s0  }
0x18: {  	s0 =	sld [smem:$0x3F9E];
	_ =	swait.ge [sflag:s4], $0x0  }
0x19: {  	s7 =	sld [smem:$0x3F9F]  }
0x1a: {  	s8 =	sadd.s32 $0xFFFFE003, lr  }
0x1b: {  	s9 =	sadd.s32 $0xFFFFFEF7, lr;
	s5 =	simm.s32 $0xFFFFFFFF;
	p2 =	slt.u32 s8, $0xFFFFF086  }
0x1c: {  	p1 =	slt.u32 s9, $0xF7A;
	s5 =	simm.s32 @!p2 $0x0  }
0x1d: {  	s5 =	simm.s32 @p1 $0x1;
	p0 =	seq.s32 s7, s2  }
0x1e: {  	s7 =	smul.u32 @!p0 $0xF7A, s2;
	p2 =	seq.s32 @!p0 s5, $0x0  }
0x1f: {  	s9 =	smul.u32 $0xF7A, s1;
	s8 =	simm.s32 @!p0 $0x1BF5;
	p2 =	por !p2, p0  }
0x20: {  	[sflag:s8] =	ssyncset.s32 @!p0 $0xFFFFF086;
	s6 =	sadd.s32 @!p0 s3, s7;
	s7 =	simm.s32 @!p0 $0x108  }
0x21: {  	s3 =	sadd.s32 s3, s9;
	s6 =	sadd.s32 @!p0 $0x88, s6;
	s7 =	simm.s32 @p2 $0x1082  }
0x22: {  	[simem:s7], [sflag:s8] =	dma.local @!p0 [hbm:s6], $0xF7A  }
0x23: {  	s9 =	sor.u32 $0xD0000000, s2;
	s6 =	simm.s32 $0x108;
	_ =	swait.ge @!p0 [sflag:s8], $0x0  }
0x24: {  	s3 =	sadd.s32 $0x88, s3;
	s6 =	simm.s32 @!p1 $0x1082;
	[sflag:s4] =	ssyncset.s32 $0xFFFFF086  }
0x25: {  	[simem:s6], [sflag:s4] =	dma.local [hbm:s3], $0xF7A  }
0x26: {  	[smem:$0x3F9F] =	sst s1;
	(tag) =	ssettag s2;
	_ =	strace s9  }
0x27: {  	s1 =	sld [smem:$0x3FAF]  }
0x28: {  	s2 =	sld [smem:$0x3FB0]  }
0x29: {  	s4 =	sld [smem:$0x3FB2]  }
0x2a: {  	p0 =	seq.s32 s5, $0x0;
	s5 =	sld [smem:$0x3FB3]  }
0x2b: {  	s6 =	sld [smem:$0x3FB4]  }
0x2c: {  	s7 =	sld [smem:$0x3FB5]  }
0x2d: {  	s3 =	simm.s32 $0x108;
	s8 =	sld [smem:$0x3FB6]  }
0x2e: {  	s3 =	simm.s32 @!p0 $0x1082;
	s9 =	sld [smem:$0x3FB7]  }
0x2f: {  	lr =	sadd.s32 s0, s3;
	s0 =	sld [smem:$0x3FAE]  }
0x30: {  	s3 =	sld [smem:$0x3FB1]  }
0x31: {  	[smem:$0x3FBA] =	sst s10  }
0x32: {  	s10 =	sld [smem:$0x3FB8];
	_ =	sdelay $0x3  }
0x33: {  	p0 =	seq.s32 s10, $0x1;
	s10 =	sld [smem:$0x3FBA];
	_ =	sdelay $0x3  }
0x34: {  	[smem:$0x3FBA] =	sst s10  }
0x35: {  	s10 =	sld [smem:$0x3FB9];
	_ =	sdelay $0x3  }
0x36: {  	p1 =	seq.s32 s10, $0x1;
	s10 =	sld [smem:$0x3FBA];
	_ =	sdelay $0x3  }
0x37: {  	[smem:$0x3FBA] =	sst s10  }
0x38: {  	s10 =	sld [smem:$0x3FBB]  }
0x39: {  	_ = 	snop;
	(pc) =	sbr.ind lr, $3  }
0x3a: {  	_ = 	snop  }
0x3b: {  	_ = 	snop  }
0x3c: {  	p2 =	seq.s32 s10, $0x1;
	s10 =	sld [smem:$0x3FBA]  }
0x3d: {  	_ =	shalt  }
0x3e: {  	_ =	shalt  }
0x3f: {  	_ =	shalt  }
0x40: {  	_ =	shalt  }
0x41: {  	_ =	shalt  }
0x42: {  	_ =	shalt  }
0x43: {  	_ =	shalt  }
0x44: {  	_ =	shalt  }
0x45: {  	_ =	shalt  }
0x46: {  	_ =	shalt  }
0x47: {  	_ =	shalt  }
0x48: {  	_ =	shalt  }
0x49: {  	_ =	shalt  }
0x4a: {  	_ =	shalt  }
0x4b: {  	_ =	shalt  }
0x4c: {  	_ =	shalt  }
0x4d: {  	_ =	shalt  }
0x4e: {  	_ =	shalt  }
0x4f: {  	_ =	shalt  }
0x50: {  	_ =	shalt  }
0x51: {  	_ =	shalt  }
0x52: {  	_ =	shalt  }
0x53: {  	_ =	shalt  }
0x54: {  	_ =	shalt  }
0x55: {  	_ =	shalt  }
0x56: {  	_ =	shalt  }
0x57: {  	_ =	shalt  }
0x58: {  	_ =	shalt  }
0x59: {  	_ =	shalt  }
0x5a: {  	_ =	shalt  }
0x5b: {  	_ =	shalt  }
0x5c: {  	_ =	shalt  }
0x5d: {  	_ =	shalt  }
0x5e: {  	_ =	shalt  }
0x5f: {  	_ =	shalt  }
0x60: {  	_ =	shalt  }
0x61: {  	_ =	shalt  }
0x62: {  	_ =	shalt  }
0x63: {  	_ =	shalt  }
0x64: {  	_ =	shalt  }
0x65: {  	_ =	shalt  }
0x66: {  	_ =	shalt  }
0x67: {  	_ =	shalt  }
0x68: {  	_ =	shalt  }
0x69: {  	_ =	shalt  }
0x6a: {  	_ =	shalt  }
0x6b: {  	_ =	shalt  }
0x6c: {  	_ =	shalt  }
0x6d: {  	_ =	shalt  }
0x6e: {  	_ =	shalt  }
0x6f: {  	_ =	shalt  }
0x70: {  	_ =	shalt  }
0x71: {  	_ =	shalt  }
0x72: {  	_ =	shalt  }
0x73: {  	_ =	shalt  }
0x74: {  	_ =	shalt  }
0x75: {  	_ =	shalt  }
0x76: {  	_ =	shalt  }
0x77: {  	_ =	shalt  }
0x78: {  	_ =	shalt  }
0x79: {  	_ =	shalt  }
0x7a: {  	_ =	shalt  }
0x7b: {  	_ =	shalt  }
0x7c: {  	_ =	shalt  }
0x7d: {  	_ =	shalt  }
0x7e: {  	_ =	shalt  }
0x7f: {  	_ =	shalt  }
0x80: {  	_ =	shalt  }
0x81: {  	_ =	shalt  }
0x82: {  	_ =	shalt  }
0x83: {  	_ =	shalt  }
0x84: {  	_ =	shalt  }
0x85: {  	_ =	shalt  }
0x86: {  	_ =	shalt  }
0x87: {  	_ =	shalt  }
.Lfunc_end0:
.L_simem_size_0:
called_computation_lowered:
.L_overlay_start_0:
0x88: {  	s2 =	sld [smem:$0x3FD9]  }
0x89: {  	s3 =	sld [smem:$0x3FFE];
	_ =	sdelay $0x1  }
0x8a: {  	s1 =	srdreg.scid  }
0x8b: {  	s0 =	sand.u32 $0x1, s1  }
0x8c: {  	s17 =	sshll.u32 s0, $0xA;
	s2 =	sadd.s32 s3, s2  }
0x8d: {  	s2 =	sadd.s32 s2, s17  }
0x8e: {  	[smem:$0x3FC6] =	sst s2  }
0x8f: {  	_ = 	snop  }
0x90: {  	s2 =	sld [smem:$0x3FC8]  }
0x91: {  	s18 =	sld [smem:$0x3FD0];
	(tm) =	ssettm $0x1  }
0x92: {  	s4 =	sld [smem:$0x3FFB];
	_ =	sdelay $0x3  }
0x93: {  	_ =	strace s4  }
0x94: {  	s4 =	sld [smem:$0x3FFC];
	_ =	sdelay $0x3  }
0x95: {  	_ =	strace s4  }
0x96: {  	s4 =	sld [smem:$0x3FFD];
	_ =	sdelay $0x3  }
0x97: {  	_ =	strace s4  }
0x98: {  	_ =	strace $0x8FFFFFFF  }
0x99: {  	s19 =	sld [smem:$0x3FDB];
	_ =	sdelay $0x1  }
0x9a: {  	s5 =	simm.s32 $_scs_section_size  }
0x9b: {  	s6 =	simm.s32 $_size__tile_overlayer_lowered;
	s7 =	simm.s32 $_tile_overlayer_lowered  }
0x9c: {  	s22 =	simm.s32 $0x1BFF;
	s21 =	sshll.u32 s7, $0x1;
	s4 =	sadd.s32 s5, s19  }
0x9d: {  	s8 =	simm.s32 $0x0;
	s20 =	sshll.u32 s6, $0x1;
	s6 =	sadd.s32 s21, s4  }
0x9e: {  	[timem:s8], [sflag:s22] =	dma.local [hbm:s6], s20  }
0x9f: {  	_ =	swait.ge [sflag:s22], s20  }
0xa0: {  	s5 =	ssub.s32 $0x0, s20;
	[sflag:s22] =	ssyncset.done $0x0  }
0xa1: {  	[sflag:s22] =	ssyncadd.s32 s5;
	_ =	sdelay $0x1  }
0xa2: {  	s23 =	simm.s32 $0x1B8B  }
0xa3: {  	_ =	swait.ge [sflag:s23], $0x1  }
0xa4: {  	[sflag:s23] =	ssyncset.done $0x0  }
0xa5: {  	s25 =	simm.s32 $0x1B8E;
	s24 =	sld [smem:$0x3FFE];
	[sflag:s23] =	ssyncadd.s32 $0xFFFFFFFF  }
0xa6: {  	s26 =	simm.s32 $execute0_lowered;
	[smem:$0x3FD2] =	sst s25  }
0xa7: {  	s6 =	sshll.u32 s26, $0x1;
	_ =	strace $0x80000046;
	[dreg:$0x1] =	wrdreg $0xFFFFFFFF  }
0xa8: {  	s28 =	simm.s32 $_size_execute0_lowered;
	s4 =	sadd.s32 s4, s6;
	[dreg:$0x0] =	wrdreg $0x0  }
0xa9: {  	s6 =	sshll.u32 s28, $0x1;
	[dreg:$0x2] =	wrdreg s4  }
0xaa: {  	[dreg:$0x3] =	wrdreg s6  }
0xab: {  	[dreg:$0x4] =	wrdreg $0xC0  }
0xac: {  	_ =	task [dreg:s8], $0x5FFFF  }
0xad: {  	[dreg:$0x1] =	wrdreg $0xFFFFFFFF  }
0xae: {  	[dreg:$0x0] =	wrdreg $0x60  }
0xaf: {  	[dreg:$0x2] =	wrdreg s2  }
0xb0: {  	[dreg:$0x3] =	wrdreg s24  }
0xb1: {  	[dreg:$0x4] =	wrdreg s18  }
0xb2: {  	[dreg:$0x5] =	wrdreg $0x9  }
0xb3: {  	_ =	task.clear_ibuf [dreg:s8], $0x6FFFF;
	_ =	strace $0x90000046  }
0xb4: {  	s29 =	simm.s32 $0x9;
	_ =	strace $0x80000048  }
0xb5: {  	_ =	swait.ge [sflag:s29], $0x1  }
0xb6: {  	[sflag:s29] =	ssyncadd.s32 $0xFFFFFFFF  }
0xb7: {  	_ =	strace $0x90000048  }
0xb8: {  	_ =	sfence  }
0xb9: {  	s30 =	sld [smem:$0x0];
	_ =	sdelay $0x2  }
0xba: {  	s31 =	sshll.u32 s1, $0xD;
	s1 =	sshrl.u32 s1, $0x2  }
0xbb: {  	s3 =	sand.u32 $0x4000, s31;
	s1 =	sadd.s32 s1, s30  }
0xbc: {  	s0 =	sor.u32 s3, s0;
	s1 =	sshll.u32 s1, $0x11  }
0xbd: {  	s0 =	sor.u32 s1, s0  }
0xbe: {  	s0 =	sadd.s32 $0x8F2B, s0  }
0xbf: {  	[sflag:s0] =	ssyncadd.remote.s32 $0x1  }
0xc0: {  	_ =	sfence.sel $0xFFFF  }
0xc1: {  	[dreg:$0x0] =	wrdreg $0xFFFFFFFF;
	(pc) =	sbr.abs _section_cstart, $3  }
0xc2: {  	[dreg:$0x1] =	wrdreg $0xFFFFFFFF  }
0xc3: {  	_ =	task.clear_ibuf [dreg:s8], $0x2FFFF;
	_ =	strace $0x9FFFFFFF  }
0xc4: {  	(tm) =	ssettm $0x7FFFFFFF  }
0xc5: {  	_ =	shalt  }
tec
execute0_lowered:
.L_overlay_start_1:
0x0: {  	(tag) =	ssettag $0x1  }
0x1: {  	s1 =	rddreg [dreg:$0x0]  }
0x2: {  	s4 =	rddreg [dreg:$0x1]  }
0x3: {  	s11 =	rddreg [dreg:$0x2]  }
0x4: {  	s0 =	rddreg [dreg:$0x3]  }
0x5: {  	s3 =	simm.s32 $0x0;
	s5 =	srdreg.scid;
	s2 =	stileid.u32  }
0x6: {  	s15 =	simm.s32 $0x880;
	s16 =	simm.s32 $0x1080;
	s17 =	simm.s32 $0x1880  }
0x7: {  	s18 =	simm.s32 $0x2080;
	s19 =	simm.s32 $0x2880;
	s20 =	simm.s32 $0x3080  }
0x8: {  	s28 =	simm.s32 $0x6880;
	s29 =	simm.s32 $0x7080;
	s30 =	simm.s32 $0x7880  }
0x9: {  	s31 =	simm.s32 $0x1;
	[smem:$0x7FF] =	sst s3;
	s5 =	sand.u32 $0x1, s5  }
0xa: {  	s7 =	sshll.u32 s2, $0xA;
	s6 =	ssub.s32 $0x2, s5;
	s5 =	sshll.u32 s5, $0x9  }
0xb: {  	s10 =	sadd.s32 $0x400, s4;
	s21 =	sshrl.u32 s6, $0x1;
	s9 =	sor.u32 s5, s7  }
0xc: {  	_ =	strace $0x80000047;
	s12 =	ssub.s32 s6, s21;
	s22 =	sshrl.u32 s9, $0x3  }
0xd: {  	s5 =	sshll.u32 s9, $0x5;
	s23 =	sor.u32 $0x80, s9;
	s13 =	sor.u32 $0x100, s9  }
0xe: {  	s14 =	sor.u32 $0x180, s9;
	s21 =	simm.s32 $0x3880;
	s4 =	sadd.s32 s10, s22  }
0xf: {  	s5 =	sadd.s32 s11, s5;
	s24 =	sshrl.u32 s23, $0x3;
	s8 =	sshll.u32 s23, $0x5  }
0x10: {  	s25 =	sshrl.u32 s13, $0x3;
	s13 =	sshll.u32 s13, $0x5;
	s26 =	sshrl.u32 s14, $0x3  }
0x11: {  	s14 =	sshll.u32 s14, $0x5;
	s12 =	smax.u32 s12, $0x1;
	s22 =	simm.s32 $0x4080  }
0x12: {  	s23 =	simm.s32 $0x4880;
	s6 =	sadd.s32 s10, s24;
	s7 =	sadd.s32 s11, s8  }
0x13: {  	v2 =	vlaneseq.u32;
	s8 =	sadd.s32 s10, s25;
	s9 =	sadd.s32 s11, s13;
	s10 =	sadd.s32 s10, s26  }
0x14: {  	vm0 =	vmmov $0xffff;
	v1 =	vshrl.u32 v2, $0x3;
	s11 =	sadd.s32 s11, s14;
	s13 =	simm.s32 $0x2;
	s14 =	simm.s32 $0x80  }
0x15: {  	v0 =	vand.u32 $0x7, v2;
	v2 =	vor.u32 $0x8, v2;
	v1 =	vmul.u32 $0x8, v1;
	s24 =	simm.s32 $0x5080;
	s25 =	simm.s32 $0x5880;
	s26 =	simm.s32 $0x6080  }
.LBB2_1:
0x16: {  	[tilespmem:s3], [sflag:$0x2] =	stream.linear.gather [hbm4b:s4+s3], $0x80, $0x38;
	[tilespmem:$0x8080] =	vst v63  }
0x17: {  	_ =	swait.ge [sflag:s13], $0x80  }
0x18: {  	[sflag:s13] =	ssyncset.done $0x0  }
0x19: {  	[sflag:s13] =	ssyncadd.s32 $0xFFFFFF80  }
0x1a: {  	v3 =	vld [tilespmem:$0x0];
	_ =	sdelay $0x4  }
0x1b: {  	v4 =	vshll.u32 v3, $0x1  }
0x1c: {  	v3 =	vand.u32 $0x7, v3;
	v4 =	vand.u32 $0xFFFFFFF0, v4  }
0x1d: {  	v3 =	vor.u32 v3, v4  }
0x1e: {  	v4 =	vperm.xlane v3, v0;
	_ =	sdelay $0x1  }
0x1f: {  	v3 =	vperm.xlane v3, v2;
	v4 =	vadd.s32 v1, v4;
	_ =	sdelay $0x1  }
0x20: {  	v3 =	vadd.s32 v1, v3;
	_ =	sdelay $0x2  }
0x21: {  	[tilespmem:s14], [sflag:$0x1] =	stream.indirect_vreg.gather [hbm4b:s1+s3], $0x80, v4, vm0, $0xb8;
	[tilespmem:$0x8080] =	vst v63  }
0x22: {  	_ = 	snop  }
0x23: {  	[tilespmem:s15], [sflag:$0x1] =	stream.indirect_vreg.gather [hbm4b:s1+s3], $0x80, v3, vm0, $0xb8;
	[tilespmem:$0x8080] =	vst v63  }
0x24: {  	v3 =	vld [tilespmem:$0x10];
	_ =	sdelay $0x4  }
0x25: {  	v33 =	vshll.u32 v3, $0x1  }
0x26: {  	v3 =	vand.u32 $0x7, v3;
	v4 =	vand.u32 $0xFFFFFFF0, v33  }
0x27: {  	v3 =	vor.u32 v3, v4  }
0x28: {  	v4 =	vperm.xlane v3, v0;
	_ =	sdelay $0x1  }
0x29: {  	v3 =	vperm.xlane v3, v2;
	v4 =	vadd.s32 v1, v4;
	_ =	sdelay $0x1  }
0x2a: {  	v3 =	vadd.s32 v1, v3;
	_ =	sdelay $0x2  }
0x2b: {  	[tilespmem:s16], [sflag:$0x1] =	stream.indirect_vreg.gather [hbm4b:s1+s3], $0x80, v4, vm0, $0xb8;
	[tilespmem:$0x8080] =	vst v63  }
0x2c: {  	_ = 	snop  }
0x2d: {  	[tilespmem:s17], [sflag:$0x1] =	stream.indirect_vreg.gather [hbm4b:s1+s3], $0x80, v3, vm0, $0xb8;
	[tilespmem:$0x8080] =	vst v63  }
0x2e: {  	v3 =	vld [tilespmem:$0x20];
	_ =	sdelay $0x4  }
0x2f: {  	v34 =	vshll.u32 v3, $0x1  }
0x30: {  	v3 =	vand.u32 $0x7, v3;
	v4 =	vand.u32 $0xFFFFFFF0, v34  }
0x31: {  	v3 =	vor.u32 v3, v4  }
0x32: {  	v4 =	vperm.xlane v3, v0;
	_ =	sdelay $0x1  }
0x33: {  	v3 =	vperm.xlane v3, v2;
	v4 =	vadd.s32 v1, v4;
	_ =	sdelay $0x1  }
0x34: {  	v3 =	vadd.s32 v1, v3;
	_ =	sdelay $0x2  }
0x35: {  	[tilespmem:s18], [sflag:$0x1] =	stream.indirect_vreg.gather [hbm4b:s1+s3], $0x80, v4, vm0, $0xb8;
	[tilespmem:$0x8080] =	vst v63  }
0x36: {  	_ = 	snop  }
0x37: {  	[tilespmem:s19], [sflag:$0x1] =	stream.indirect_vreg.gather [hbm4b:s1+s3], $0x80, v3, vm0, $0xb8;
	[tilespmem:$0x8080] =	vst v63  }
0x38: {  	v3 =	vld [tilespmem:$0x30];
	_ =	sdelay $0x4  }
0x39: {  	v35 =	vshll.u32 v3, $0x1  }
0x3a: {  	v3 =	vand.u32 $0x7, v3;
	v4 =	vand.u32 $0xFFFFFFF0, v35  }
0x3b: {  	v3 =	vor.u32 v3, v4  }
0x3c: {  	v4 =	vperm.xlane v3, v0;
	_ =	sdelay $0x1  }
0x3d: {  	v3 =	vperm.xlane v3, v2;
	v4 =	vadd.s32 v1, v4;
	_ =	sdelay $0x1  }
0x3e: {  	v3 =	vadd.s32 v1, v3;
	_ =	sdelay $0x2  }
0x3f: {  	[tilespmem:s20], [sflag:$0x1] =	stream.indirect_vreg.gather [hbm4b:s1+s3], $0x80, v4, vm0, $0xb8;
	[tilespmem:$0x8080] =	vst v63  }
0x40: {  	_ = 	snop  }
0x41: {  	[tilespmem:s21], [sflag:$0x1] =	stream.indirect_vreg.gather [hbm4b:s1+s3], $0x80, v3, vm0, $0xb8;
	[tilespmem:$0x8080] =	vst v63  }
0x42: {  	v3 =	vld [tilespmem:$0x40];
	_ =	sdelay $0x4  }
0x43: {  	v36 =	vshll.u32 v3, $0x1  }
0x44: {  	v3 =	vand.u32 $0x7, v3;
	v4 =	vand.u32 $0xFFFFFFF0, v36  }
0x45: {  	v3 =	vor.u32 v3, v4  }
0x46: {  	v4 =	vperm.xlane v3, v0;
	_ =	sdelay $0x1  }
0x47: {  	v3 =	vperm.xlane v3, v2;
	v4 =	vadd.s32 v1, v4;
	_ =	sdelay $0x1  }
0x48: {  	v3 =	vadd.s32 v1, v3;
	_ =	sdelay $0x2  }
0x49: {  	[tilespmem:s22], [sflag:$0x1] =	stream.indirect_vreg.gather [hbm4b:s1+s3], $0x80, v4, vm0, $0xb8;
	[tilespmem:$0x8080] =	vst v63  }
0x4a: {  	_ = 	snop  }
0x4b: {  	[tilespmem:s23], [sflag:$0x1] =	stream.indirect_vreg.gather [hbm4b:s1+s3], $0x80, v3, vm0, $0xb8;
	[tilespmem:$0x8080] =	vst v63  }
0x4c: {  	v3 =	vld [tilespmem:$0x50];
	_ =	sdelay $0x4  }
0x4d: {  	v37 =	vshll.u32 v3, $0x1  }
0x4e: {  	v3 =	vand.u32 $0x7, v3;
	v4 =	vand.u32 $0xFFFFFFF0, v37  }
0x4f: {  	v3 =	vor.u32 v3, v4  }
0x50: {  	v4 =	vperm.xlane v3, v0;
	_ =	sdelay $0x1  }
0x51: {  	v3 =	vperm.xlane v3, v2;
	v4 =	vadd.s32 v1, v4;
	_ =	sdelay $0x1  }
0x52: {  	v3 =	vadd.s32 v1, v3;
	_ =	sdelay $0x2  }
0x53: {  	[tilespmem:s24], [sflag:$0x1] =	stream.indirect_vreg.gather [hbm4b:s1+s3], $0x80, v4, vm0, $0xb8;
	[tilespmem:$0x8080] =	vst v63  }
0x54: {  	_ = 	snop  }
0x55: {  	[tilespmem:s25], [sflag:$0x1] =	stream.indirect_vreg.gather [hbm4b:s1+s3], $0x80, v3, vm0, $0xb8;
	[tilespmem:$0x8080] =	vst v63  }
0x56: {  	v3 =	vld [tilespmem:$0x60];
	_ =	sdelay $0x4  }
0x57: {  	v38 =	vshll.u32 v3, $0x1  }
0x58: {  	v3 =	vand.u32 $0x7, v3;
	v4 =	vand.u32 $0xFFFFFFF0, v38  }
0x59: {  	v3 =	vor.u32 v3, v4  }
0x5a: {  	v4 =	vperm.xlane v3, v0;
	_ =	sdelay $0x1  }
0x5b: {  	v3 =	vperm.xlane v3, v2;
	v4 =	vadd.s32 v1, v4;
	_ =	sdelay $0x1  }
0x5c: {  	v3 =	vadd.s32 v1, v3;
	_ =	sdelay $0x2  }
0x5d: {  	[tilespmem:s26], [sflag:$0x1] =	stream.indirect_vreg.gather [hbm4b:s1+s3], $0x80, v4, vm0, $0xb8;
	[tilespmem:$0x8080] =	vst v63  }
0x5e: {  	_ = 	snop  }
0x5f: {  	[tilespmem:s28], [sflag:$0x1] =	stream.indirect_vreg.gather [hbm4b:s1+s3], $0x80, v3, vm0, $0xb8;
	[tilespmem:$0x8080] =	vst v63  }
0x60: {  	v3 =	vld [tilespmem:$0x70];
	_ =	sdelay $0x4  }
0x61: {  	v39 =	vshll.u32 v3, $0x1  }
0x62: {  	v3 =	vand.u32 $0x7, v3;
	v4 =	vand.u32 $0xFFFFFFF0, v39  }
0x63: {  	v3 =	vor.u32 v3, v4  }
0x64: {  	v4 =	vperm.xlane v3, v0;
	_ =	sdelay $0x1  }
0x65: {  	v3 =	vperm.xlane v3, v2;
	v4 =	vadd.s32 v1, v4;
	_ =	sdelay $0x1  }
0x66: {  	v3 =	vadd.s32 v1, v3;
	_ =	sdelay $0x2  }
0x67: {  	[tilespmem:s29], [sflag:$0x1] =	stream.indirect_vreg.gather [hbm4b:s1+s3], $0x80, v4, vm0, $0xb8;
	[tilespmem:$0x8080] =	vst v63  }
0x68: {  	_ = 	snop  }
0x69: {  	[tilespmem:s30], [sflag:$0x1] =	stream.indirect_vreg.gather [hbm4b:s1+s3], $0x80, v3, vm0, $0xb8;
	[tilespmem:$0x8080] =	vst v63  }
0x6a: {  	_ =	swait.ge [sflag:s31], $0x8000  }
0x6b: {  	[sflag:s31] =	ssyncset.done $0x0  }
0x6c: {  	[sflag:s31] =	ssyncadd.s32 $0xFFFF8000  }
0x6d: {  	[hbm4b:s5+s3] =	stream.linear.scatter [tilespmem:s14], [sflag:$0x2], $0x8000, $0x38;
	[tilespmem:$0x8080] =	vst v63  }
0x6e: {  	_ =	swait.ge [sflag:s13], $0x8000  }
0x6f: {  	[sflag:s13] =	ssyncset.done $0x0  }
0x70: {  	[sflag:s13] =	ssyncadd.s32 $0xFFFF8000  }
0x71: {  	[tilespmem:s3], [sflag:$0x2] =	stream.linear.gather [hbm4b:s6+s3], $0x80, $0x38;
	[tilespmem:$0x8080] =	vst v63  }
0x72: {  	_ =	swait.ge [sflag:s13], $0x80  }
0x73: {  	[sflag:s13] =	ssyncset.done $0x0  }
0x74: {  	[sflag:s13] =	ssyncadd.s32 $0xFFFFFF80  }
0x75: {  	v3 =	vld [tilespmem:$0x0];
	_ =	sdelay $0x4  }
0x76: {  	v40 =	vshll.u32 v3, $0x1  }
0x77: {  	v3 =	vand.u32 $0x7, v3;
	v4 =	vand.u32 $0xFFFFFFF0, v40  }
0x78: {  	v3 =	vor.u32 v3, v4  }
0x79: {  	v4 =	vperm.xlane v3, v0;
	_ =	sdelay $0x1  }
0x7a: {  	v3 =	vperm.xlane v3, v2;
	v4 =	vadd.s32 v1, v4;
	_ =	sdelay $0x1  }
0x7b: {  	v3 =	vadd.s32 v1, v3;
	_ =	sdelay $0x2  }
0x7c: {  	[tilespmem:s14], [sflag:$0x1] =	stream.indirect_vreg.gather [hbm4b:s1+s3], $0x80, v4, vm0, $0xb8;
	[tilespmem:$0x8080] =	vst v63  }
0x7d: {  	_ = 	snop  }
0x7e: {  	[tilespmem:s15], [sflag:$0x1] =	stream.indirect_vreg.gather [hbm4b:s1+s3], $0x80, v3, vm0, $0xb8;
	[tilespmem:$0x8080] =	vst v63  }
0x7f: {  	v3 =	vld [tilespmem:$0x10];
	_ =	sdelay $0x4  }
0x80: {  	v41 =	vshll.u32 v3, $0x1  }
0x81: {  	v3 =	vand.u32 $0x7, v3;
	v4 =	vand.u32 $0xFFFFFFF0, v41  }
0x82: {  	v3 =	vor.u32 v3, v4  }
0x83: {  	v4 =	vperm.xlane v3, v0;
	_ =	sdelay $0x1  }
0x84: {  	v3 =	vperm.xlane v3, v2;
	v4 =	vadd.s32 v1, v4;
	_ =	sdelay $0x1  }
0x85: {  	v3 =	vadd.s32 v1, v3;
	_ =	sdelay $0x2  }
0x86: {  	[tilespmem:s16], [sflag:$0x1] =	stream.indirect_vreg.gather [hbm4b:s1+s3], $0x80, v4, vm0, $0xb8;
	[tilespmem:$0x8080] =	vst v63  }
0x87: {  	_ = 	snop  }
0x88: {  	[tilespmem:s17], [sflag:$0x1] =	stream.indirect_vreg.gather [hbm4b:s1+s3], $0x80, v3, vm0, $0xb8;
	[tilespmem:$0x8080] =	vst v63  }
0x89: {  	v3 =	vld [tilespmem:$0x20];
	_ =	sdelay $0x4  }
0x8a: {  	v42 =	vshll.u32 v3, $0x1  }
0x8b: {  	v3 =	vand.u32 $0x7, v3;
	v4 =	vand.u32 $0xFFFFFFF0, v42  }
0x8c: {  	v3 =	vor.u32 v3, v4  }
0x8d: {  	v4 =	vperm.xlane v3, v0;
	_ =	sdelay $0x1  }
0x8e: {  	v3 =	vperm.xlane v3, v2;
	v4 =	vadd.s32 v1, v4;
	_ =	sdelay $0x1  }
0x8f: {  	v3 =	vadd.s32 v1, v3;
	_ =	sdelay $0x2  }
0x90: {  	[tilespmem:s18], [sflag:$0x1] =	stream.indirect_vreg.gather [hbm4b:s1+s3], $0x80, v4, vm0, $0xb8;
	[tilespmem:$0x8080] =	vst v63  }
0x91: {  	_ = 	snop  }
0x92: {  	[tilespmem:s19], [sflag:$0x1] =	stream.indirect_vreg.gather [hbm4b:s1+s3], $0x80, v3, vm0, $0xb8;
	[tilespmem:$0x8080] =	vst v63  }
0x93: {  	v3 =	vld [tilespmem:$0x30];
	_ =	sdelay $0x4  }
0x94: {  	v43 =	vshll.u32 v3, $0x1  }
0x95: {  	v3 =	vand.u32 $0x7, v3;
	v4 =	vand.u32 $0xFFFFFFF0, v43  }
0x96: {  	v3 =	vor.u32 v3, v4  }
0x97: {  	v4 =	vperm.xlane v3, v0;
	_ =	sdelay $0x1  }
0x98: {  	v3 =	vperm.xlane v3, v2;
	v4 =	vadd.s32 v1, v4;
	_ =	sdelay $0x1  }
0x99: {  	v3 =	vadd.s32 v1, v3;
	_ =	sdelay $0x2  }
0x9a: {  	[tilespmem:s20], [sflag:$0x1] =	stream.indirect_vreg.gather [hbm4b:s1+s3], $0x80, v4, vm0, $0xb8;
	[tilespmem:$0x8080] =	vst v63  }
0x9b: {  	_ = 	snop  }
0x9c: {  	[tilespmem:s21], [sflag:$0x1] =	stream.indirect_vreg.gather [hbm4b:s1+s3], $0x80, v3, vm0, $0xb8;
	[tilespmem:$0x8080] =	vst v63  }
0x9d: {  	v3 =	vld [tilespmem:$0x40];
	_ =	sdelay $0x4  }
0x9e: {  	v44 =	vshll.u32 v3, $0x1  }
0x9f: {  	v3 =	vand.u32 $0x7, v3;
	v4 =	vand.u32 $0xFFFFFFF0, v44  }
0xa0: {  	v3 =	vor.u32 v3, v4  }
0xa1: {  	v4 =	vperm.xlane v3, v0;
	_ =	sdelay $0x1  }
0xa2: {  	v3 =	vperm.xlane v3, v2;
	v4 =	vadd.s32 v1, v4;
	_ =	sdelay $0x1  }
0xa3: {  	v3 =	vadd.s32 v1, v3;
	_ =	sdelay $0x2  }
0xa4: {  	[tilespmem:s22], [sflag:$0x1] =	stream.indirect_vreg.gather [hbm4b:s1+s3], $0x80, v4, vm0, $0xb8;
	[tilespmem:$0x8080] =	vst v63  }
0xa5: {  	_ = 	snop  }
0xa6: {  	[tilespmem:s23], [sflag:$0x1] =	stream.indirect_vreg.gather [hbm4b:s1+s3], $0x80, v3, vm0, $0xb8;
	[tilespmem:$0x8080] =	vst v63  }
0xa7: {  	v3 =	vld [tilespmem:$0x50];
	_ =	sdelay $0x4  }
0xa8: {  	v45 =	vshll.u32 v3, $0x1  }
0xa9: {  	v3 =	vand.u32 $0x7, v3;
	v4 =	vand.u32 $0xFFFFFFF0, v45  }
0xaa: {  	v3 =	vor.u32 v3, v4  }
0xab: {  	v4 =	vperm.xlane v3, v0;
	_ =	sdelay $0x1  }
0xac: {  	v3 =	vperm.xlane v3, v2;
	v4 =	vadd.s32 v1, v4;
	_ =	sdelay $0x1  }
0xad: {  	v3 =	vadd.s32 v1, v3;
	_ =	sdelay $0x2  }
0xae: {  	[tilespmem:s24], [sflag:$0x1] =	stream.indirect_vreg.gather [hbm4b:s1+s3], $0x80, v4, vm0, $0xb8;
	[tilespmem:$0x8080] =	vst v63  }
0xaf: {  	_ = 	snop  }
0xb0: {  	[tilespmem:s25], [sflag:$0x1] =	stream.indirect_vreg.gather [hbm4b:s1+s3], $0x80, v3, vm0, $0xb8;
	[tilespmem:$0x8080] =	vst v63  }
0xb1: {  	v3 =	vld [tilespmem:$0x60];
	_ =	sdelay $0x4  }
0xb2: {  	v46 =	vshll.u32 v3, $0x1  }
0xb3: {  	v3 =	vand.u32 $0x7, v3;
	v4 =	vand.u32 $0xFFFFFFF0, v46  }
0xb4: {  	v3 =	vor.u32 v3, v4  }
0xb5: {  	v4 =	vperm.xlane v3, v0;
	_ =	sdelay $0x1  }
0xb6: {  	v3 =	vperm.xlane v3, v2;
	v4 =	vadd.s32 v1, v4;
	_ =	sdelay $0x1  }
0xb7: {  	v3 =	vadd.s32 v1, v3;
	_ =	sdelay $0x2  }
0xb8: {  	[tilespmem:s26], [sflag:$0x1] =	stream.indirect_vreg.gather [hbm4b:s1+s3], $0x80, v4, vm0, $0xb8;
	[tilespmem:$0x8080] =	vst v63  }
0xb9: {  	_ = 	snop  }
0xba: {  	[tilespmem:s28], [sflag:$0x1] =	stream.indirect_vreg.gather [hbm4b:s1+s3], $0x80, v3, vm0, $0xb8;
	[tilespmem:$0x8080] =	vst v63  }
0xbb: {  	v3 =	vld [tilespmem:$0x70];
	_ =	sdelay $0x4  }
0xbc: {  	v47 =	vshll.u32 v3, $0x1  }
0xbd: {  	v3 =	vand.u32 $0x7, v3;
	v4 =	vand.u32 $0xFFFFFFF0, v47  }
0xbe: {  	v3 =	vor.u32 v3, v4  }
0xbf: {  	v4 =	vperm.xlane v3, v0;
	_ =	sdelay $0x1  }
0xc0: {  	v3 =	vperm.xlane v3, v2;
	v4 =	vadd.s32 v1, v4;
	_ =	sdelay $0x1  }
0xc1: {  	v3 =	vadd.s32 v1, v3;
	_ =	sdelay $0x2  }
0xc2: {  	[tilespmem:s29], [sflag:$0x1] =	stream.indirect_vreg.gather [hbm4b:s1+s3], $0x80, v4, vm0, $0xb8;
	[tilespmem:$0x8080] =	vst v63  }
0xc3: {  	_ = 	snop  }
0xc4: {  	[tilespmem:s30], [sflag:$0x1] =	stream.indirect_vreg.gather [hbm4b:s1+s3], $0x80, v3, vm0, $0xb8;
	[tilespmem:$0x8080] =	vst v63  }
0xc5: {  	_ =	swait.ge [sflag:s31], $0x8000  }
0xc6: {  	[sflag:s31] =	ssyncset.done $0x0  }
0xc7: {  	[sflag:s31] =	ssyncadd.s32 $0xFFFF8000  }
0xc8: {  	[hbm4b:s7+s3] =	stream.linear.scatter [tilespmem:s14], [sflag:$0x2], $0x8000, $0x38;
	[tilespmem:$0x8080] =	vst v63  }
0xc9: {  	_ =	swait.ge [sflag:s13], $0x8000  }
0xca: {  	[sflag:s13] =	ssyncset.done $0x0  }
0xcb: {  	[sflag:s13] =	ssyncadd.s32 $0xFFFF8000  }
0xcc: {  	[tilespmem:s3], [sflag:$0x2] =	stream.linear.gather [hbm4b:s8+s3], $0x80, $0x38;
	[tilespmem:$0x8080] =	vst v63  }
0xcd: {  	_ =	swait.ge [sflag:s13], $0x80  }
0xce: {  	[sflag:s13] =	ssyncset.done $0x0  }
0xcf: {  	[sflag:s13] =	ssyncadd.s32 $0xFFFFFF80  }
0xd0: {  	v3 =	vld [tilespmem:$0x0];
	_ =	sdelay $0x4  }
0xd1: {  	v48 =	vshll.u32 v3, $0x1  }
0xd2: {  	v3 =	vand.u32 $0x7, v3;
	v4 =	vand.u32 $0xFFFFFFF0, v48  }
0xd3: {  	v3 =	vor.u32 v3, v4  }
0xd4: {  	v4 =	vperm.xlane v3, v0;
	_ =	sdelay $0x1  }
0xd5: {  	v3 =	vperm.xlane v3, v2;
	v4 =	vadd.s32 v1, v4;
	_ =	sdelay $0x1  }
0xd6: {  	v3 =	vadd.s32 v1, v3;
	_ =	sdelay $0x2  }
0xd7: {  	[tilespmem:s14], [sflag:$0x1] =	stream.indirect_vreg.gather [hbm4b:s1+s3], $0x80, v4, vm0, $0xb8;
	[tilespmem:$0x8080] =	vst v63  }
0xd8: {  	_ = 	snop  }
0xd9: {  	[tilespmem:s15], [sflag:$0x1] =	stream.indirect_vreg.gather [hbm4b:s1+s3], $0x80, v3, vm0, $0xb8;
	[tilespmem:$0x8080] =	vst v63  }
0xda: {  	v3 =	vld [tilespmem:$0x10];
	_ =	sdelay $0x4  }
0xdb: {  	v49 =	vshll.u32 v3, $0x1  }
0xdc: {  	v3 =	vand.u32 $0x7, v3;
	v4 =	vand.u32 $0xFFFFFFF0, v49  }
0xdd: {  	v3 =	vor.u32 v3, v4  }
0xde: {  	v4 =	vperm.xlane v3, v0;
	_ =	sdelay $0x1  }
0xdf: {  	v3 =	vperm.xlane v3, v2;
	v4 =	vadd.s32 v1, v4;
	_ =	sdelay $0x1  }
0xe0: {  	v3 =	vadd.s32 v1, v3;
	_ =	sdelay $0x2  }
0xe1: {  	[tilespmem:s16], [sflag:$0x1] =	stream.indirect_vreg.gather [hbm4b:s1+s3], $0x80, v4, vm0, $0xb8;
	[tilespmem:$0x8080] =	vst v63  }
0xe2: {  	_ = 	snop  }
0xe3: {  	[tilespmem:s17], [sflag:$0x1] =	stream.indirect_vreg.gather [hbm4b:s1+s3], $0x80, v3, vm0, $0xb8;
	[tilespmem:$0x8080] =	vst v63  }
0xe4: {  	v3 =	vld [tilespmem:$0x20];
	_ =	sdelay $0x4  }
0xe5: {  	v50 =	vshll.u32 v3, $0x1  }
0xe6: {  	v3 =	vand.u32 $0x7, v3;
	v4 =	vand.u32 $0xFFFFFFF0, v50  }
0xe7: {  	v3 =	vor.u32 v3, v4  }
0xe8: {  	v4 =	vperm.xlane v3, v0;
	_ =	sdelay $0x1  }
0xe9: {  	v3 =	vperm.xlane v3, v2;
	v4 =	vadd.s32 v1, v4;
	_ =	sdelay $0x1  }
0xea: {  	v3 =	vadd.s32 v1, v3;
	_ =	sdelay $0x2  }
0xeb: {  	[tilespmem:s18], [sflag:$0x1] =	stream.indirect_vreg.gather [hbm4b:s1+s3], $0x80, v4, vm0, $0xb8;
	[tilespmem:$0x8080] =	vst v63  }
0xec: {  	_ = 	snop  }
0xed: {  	[tilespmem:s19], [sflag:$0x1] =	stream.indirect_vreg.gather [hbm4b:s1+s3], $0x80, v3, vm0, $0xb8;
	[tilespmem:$0x8080] =	vst v63  }
0xee: {  	v3 =	vld [tilespmem:$0x30];
	_ =	sdelay $0x4  }
0xef: {  	v51 =	vshll.u32 v3, $0x1  }
0xf0: {  	v3 =	vand.u32 $0x7, v3;
	v4 =	vand.u32 $0xFFFFFFF0, v51  }
0xf1: {  	v3 =	vor.u32 v3, v4  }
0xf2: {  	v4 =	vperm.xlane v3, v0;
	_ =	sdelay $0x1  }
0xf3: {  	v3 =	vperm.xlane v3, v2;
	v4 =	vadd.s32 v1, v4;
	_ =	sdelay $0x1  }
0xf4: {  	v3 =	vadd.s32 v1, v3;
	_ =	sdelay $0x2  }
0xf5: {  	[tilespmem:s20], [sflag:$0x1] =	stream.indirect_vreg.gather [hbm4b:s1+s3], $0x80, v4, vm0, $0xb8;
	[tilespmem:$0x8080] =	vst v63  }
0xf6: {  	_ = 	snop  }
0xf7: {  	[tilespmem:s21], [sflag:$0x1] =	stream.indirect_vreg.gather [hbm4b:s1+s3], $0x80, v3, vm0, $0xb8;
	[tilespmem:$0x8080] =	vst v63  }
0xf8: {  	v3 =	vld [tilespmem:$0x40];
	_ =	sdelay $0x4  }
0xf9: {  	v52 =	vshll.u32 v3, $0x1  }
0xfa: {  	v3 =	vand.u32 $0x7, v3;
	v4 =	vand.u32 $0xFFFFFFF0, v52  }
0xfb: {  	v3 =	vor.u32 v3, v4  }
0xfc: {  	v4 =	vperm.xlane v3, v0;
	_ =	sdelay $0x1  }
0xfd: {  	v3 =	vperm.xlane v3, v2;
	v4 =	vadd.s32 v1, v4;
	_ =	sdelay $0x1  }
0xfe: {  	v3 =	vadd.s32 v1, v3;
	_ =	sdelay $0x2  }
0xff: {  	[tilespmem:s22], [sflag:$0x1] =	stream.indirect_vreg.gather [hbm4b:s1+s3], $0x80, v4, vm0, $0xb8;
	[tilespmem:$0x8080] =	vst v63  }
0x100: {  	_ = 	snop  }
0x101: {  	[tilespmem:s23], [sflag:$0x1] =	stream.indirect_vreg.gather [hbm4b:s1+s3], $0x80, v3, vm0, $0xb8;
	[tilespmem:$0x8080] =	vst v63  }
0x102: {  	v3 =	vld [tilespmem:$0x50];
	_ =	sdelay $0x4  }
0x103: {  	v53 =	vshll.u32 v3, $0x1  }
0x104: {  	v3 =	vand.u32 $0x7, v3;
	v4 =	vand.u32 $0xFFFFFFF0, v53  }
0x105: {  	v3 =	vor.u32 v3, v4  }
0x106: {  	v4 =	vperm.xlane v3, v0;
	_ =	sdelay $0x1  }
0x107: {  	v3 =	vperm.xlane v3, v2;
	v4 =	vadd.s32 v1, v4;
	_ =	sdelay $0x1  }
0x108: {  	v3 =	vadd.s32 v1, v3;
	_ =	sdelay $0x2  }
0x109: {  	[tilespmem:s24], [sflag:$0x1] =	stream.indirect_vreg.gather [hbm4b:s1+s3], $0x80, v4, vm0, $0xb8;
	[tilespmem:$0x8080] =	vst v63  }
0x10a: {  	_ = 	snop  }
0x10b: {  	[tilespmem:s25], [sflag:$0x1] =	stream.indirect_vreg.gather [hbm4b:s1+s3], $0x80, v3, vm0, $0xb8;
	[tilespmem:$0x8080] =	vst v63  }
0x10c: {  	v3 =	vld [tilespmem:$0x60];
	_ =	sdelay $0x4  }
0x10d: {  	v54 =	vshll.u32 v3, $0x1  }
0x10e: {  	v3 =	vand.u32 $0x7, v3;
	v4 =	vand.u32 $0xFFFFFFF0, v54  }
0x10f: {  	v3 =	vor.u32 v3, v4  }
0x110: {  	v4 =	vperm.xlane v3, v0;
	_ =	sdelay $0x1  }
0x111: {  	v3 =	vperm.xlane v3, v2;
	v4 =	vadd.s32 v1, v4;
	_ =	sdelay $0x1  }
0x112: {  	v3 =	vadd.s32 v1, v3;
	_ =	sdelay $0x2  }
0x113: {  	[tilespmem:s26], [sflag:$0x1] =	stream.indirect_vreg.gather [hbm4b:s1+s3], $0x80, v4, vm0, $0xb8;
	[tilespmem:$0x8080] =	vst v63  }
0x114: {  	_ = 	snop  }
0x115: {  	[tilespmem:s28], [sflag:$0x1] =	stream.indirect_vreg.gather [hbm4b:s1+s3], $0x80, v3, vm0, $0xb8;
	[tilespmem:$0x8080] =	vst v63  }
0x116: {  	v3 =	vld [tilespmem:$0x70];
	_ =	sdelay $0x4  }
0x117: {  	v55 =	vshll.u32 v3, $0x1  }
0x118: {  	v3 =	vand.u32 $0x7, v3;
	v4 =	vand.u32 $0xFFFFFFF0, v55  }
0x119: {  	v3 =	vor.u32 v3, v4  }
0x11a: {  	v4 =	vperm.xlane v3, v0;
	_ =	sdelay $0x1  }
0x11b: {  	v3 =	vperm.xlane v3, v2;
	v4 =	vadd.s32 v1, v4;
	_ =	sdelay $0x1  }
0x11c: {  	v3 =	vadd.s32 v1, v3;
	_ =	sdelay $0x2  }
0x11d: {  	[tilespmem:s29], [sflag:$0x1] =	stream.indirect_vreg.gather [hbm4b:s1+s3], $0x80, v4, vm0, $0xb8;
	[tilespmem:$0x8080] =	vst v63  }
0x11e: {  	_ = 	snop  }
0x11f: {  	[tilespmem:s30], [sflag:$0x1] =	stream.indirect_vreg.gather [hbm4b:s1+s3], $0x80, v3, vm0, $0xb8;
	[tilespmem:$0x8080] =	vst v63  }
0x120: {  	_ =	swait.ge [sflag:s31], $0x8000  }
0x121: {  	[sflag:s31] =	ssyncset.done $0x0  }
0x122: {  	[sflag:s31] =	ssyncadd.s32 $0xFFFF8000  }
0x123: {  	[hbm4b:s9+s3] =	stream.linear.scatter [tilespmem:s14], [sflag:$0x2], $0x8000, $0x38;
	[tilespmem:$0x8080] =	vst v63  }
0x124: {  	_ =	swait.ge [sflag:s13], $0x8000  }
0x125: {  	[sflag:s13] =	ssyncset.done $0x0  }
0x126: {  	[sflag:s13] =	ssyncadd.s32 $0xFFFF8000  }
0x127: {  	[tilespmem:s3], [sflag:$0x2] =	stream.linear.gather [hbm4b:s10+s3], $0x80, $0x38;
	[tilespmem:$0x8080] =	vst v63  }
0x128: {  	_ =	swait.ge [sflag:s13], $0x80  }
0x129: {  	[sflag:s13] =	ssyncset.done $0x0  }
0x12a: {  	[sflag:s13] =	ssyncadd.s32 $0xFFFFFF80  }
0x12b: {  	v3 =	vld [tilespmem:$0x0];
	_ =	sdelay $0x4  }
0x12c: {  	v56 =	vshll.u32 v3, $0x1  }
0x12d: {  	v3 =	vand.u32 $0x7, v3;
	v4 =	vand.u32 $0xFFFFFFF0, v56  }
0x12e: {  	v3 =	vor.u32 v3, v4  }
0x12f: {  	v4 =	vperm.xlane v3, v0;
	_ =	sdelay $0x1  }
0x130: {  	v3 =	vperm.xlane v3, v2;
	v4 =	vadd.s32 v1, v4;
	_ =	sdelay $0x1  }
0x131: {  	v3 =	vadd.s32 v1, v3;
	_ =	sdelay $0x2  }
0x132: {  	[tilespmem:s14], [sflag:$0x1] =	stream.indirect_vreg.gather [hbm4b:s1+s3], $0x80, v4, vm0, $0xb8;
	[tilespmem:$0x8080] =	vst v63  }
0x133: {  	_ = 	snop  }
0x134: {  	[tilespmem:s15], [sflag:$0x1] =	stream.indirect_vreg.gather [hbm4b:s1+s3], $0x80, v3, vm0, $0xb8;
	[tilespmem:$0x8080] =	vst v63  }
0x135: {  	v3 =	vld [tilespmem:$0x10];
	_ =	sdelay $0x4  }
0x136: {  	v57 =	vshll.u32 v3, $0x1  }
0x137: {  	v3 =	vand.u32 $0x7, v3;
	v4 =	vand.u32 $0xFFFFFFF0, v57  }
0x138: {  	v3 =	vor.u32 v3, v4  }
0x139: {  	v4 =	vperm.xlane v3, v0;
	_ =	sdelay $0x1  }
0x13a: {  	v3 =	vperm.xlane v3, v2;
	v4 =	vadd.s32 v1, v4;
	_ =	sdelay $0x1  }
0x13b: {  	v3 =	vadd.s32 v1, v3;
	_ =	sdelay $0x2  }
0x13c: {  	[tilespmem:s16], [sflag:$0x1] =	stream.indirect_vreg.gather [hbm4b:s1+s3], $0x80, v4, vm0, $0xb8;
	[tilespmem:$0x8080] =	vst v63  }
0x13d: {  	_ = 	snop  }
0x13e: {  	[tilespmem:s17], [sflag:$0x1] =	stream.indirect_vreg.gather [hbm4b:s1+s3], $0x80, v3, vm0, $0xb8;
	[tilespmem:$0x8080] =	vst v63  }
0x13f: {  	v3 =	vld [tilespmem:$0x20];
	_ =	sdelay $0x4  }
0x140: {  	v58 =	vshll.u32 v3, $0x1  }
0x141: {  	v3 =	vand.u32 $0x7, v3;
	v4 =	vand.u32 $0xFFFFFFF0, v58  }
0x142: {  	v3 =	vor.u32 v3, v4  }
0x143: {  	v4 =	vperm.xlane v3, v0;
	_ =	sdelay $0x1  }
0x144: {  	v3 =	vperm.xlane v3, v2;
	v4 =	vadd.s32 v1, v4;
	_ =	sdelay $0x1  }
0x145: {  	v3 =	vadd.s32 v1, v3;
	_ =	sdelay $0x2  }
0x146: {  	[tilespmem:s18], [sflag:$0x1] =	stream.indirect_vreg.gather [hbm4b:s1+s3], $0x80, v4, vm0, $0xb8;
	[tilespmem:$0x8080] =	vst v63  }
0x147: {  	_ = 	snop  }
0x148: {  	[tilespmem:s19], [sflag:$0x1] =	stream.indirect_vreg.gather [hbm4b:s1+s3], $0x80, v3, vm0, $0xb8;
	[tilespmem:$0x8080] =	vst v63  }
0x149: {  	v3 =	vld [tilespmem:$0x30];
	_ =	sdelay $0x4  }
0x14a: {  	v59 =	vshll.u32 v3, $0x1  }
0x14b: {  	v3 =	vand.u32 $0x7, v3;
	v4 =	vand.u32 $0xFFFFFFF0, v59  }
0x14c: {  	v3 =	vor.u32 v3, v4  }
0x14d: {  	v4 =	vperm.xlane v3, v0;
	_ =	sdelay $0x1  }
0x14e: {  	v3 =	vperm.xlane v3, v2;
	v4 =	vadd.s32 v1, v4;
	_ =	sdelay $0x1  }
0x14f: {  	v3 =	vadd.s32 v1, v3;
	_ =	sdelay $0x2  }
0x150: {  	[tilespmem:s20], [sflag:$0x1] =	stream.indirect_vreg.gather [hbm4b:s1+s3], $0x80, v4, vm0, $0xb8;
	[tilespmem:$0x8080] =	vst v63  }
0x151: {  	_ = 	snop  }
0x152: {  	[tilespmem:s21], [sflag:$0x1] =	stream.indirect_vreg.gather [hbm4b:s1+s3], $0x80, v3, vm0, $0xb8;
	[tilespmem:$0x8080] =	vst v63  }
0x153: {  	v3 =	vld [tilespmem:$0x40];
	_ =	sdelay $0x4  }
0x154: {  	v60 =	vshll.u32 v3, $0x1  }
0x155: {  	v3 =	vand.u32 $0x7, v3;
	v4 =	vand.u32 $0xFFFFFFF0, v60  }
0x156: {  	v3 =	vor.u32 v3, v4  }
0x157: {  	v4 =	vperm.xlane v3, v0;
	_ =	sdelay $0x1  }
0x158: {  	v3 =	vperm.xlane v3, v2;
	v4 =	vadd.s32 v1, v4;
	_ =	sdelay $0x1  }
0x159: {  	v3 =	vadd.s32 v1, v3;
	_ =	sdelay $0x2  }
0x15a: {  	[tilespmem:s22], [sflag:$0x1] =	stream.indirect_vreg.gather [hbm4b:s1+s3], $0x80, v4, vm0, $0xb8;
	[tilespmem:$0x8080] =	vst v63  }
0x15b: {  	_ = 	snop  }
0x15c: {  	[tilespmem:s23], [sflag:$0x1] =	stream.indirect_vreg.gather [hbm4b:s1+s3], $0x80, v3, vm0, $0xb8;
	[tilespmem:$0x8080] =	vst v63  }
0x15d: {  	v3 =	vld [tilespmem:$0x50];
	_ =	sdelay $0x4  }
0x15e: {  	v61 =	vshll.u32 v3, $0x1  }
0x15f: {  	v3 =	vand.u32 $0x7, v3;
	v4 =	vand.u32 $0xFFFFFFF0, v61  }
0x160: {  	v3 =	vor.u32 v3, v4  }
0x161: {  	v4 =	vperm.xlane v3, v0;
	_ =	sdelay $0x1  }
0x162: {  	v3 =	vperm.xlane v3, v2;
	v4 =	vadd.s32 v1, v4;
	_ =	sdelay $0x1  }
0x163: {  	v3 =	vadd.s32 v1, v3;
	_ =	sdelay $0x2  }
0x164: {  	[tilespmem:s24], [sflag:$0x1] =	stream.indirect_vreg.gather [hbm4b:s1+s3], $0x80, v4, vm0, $0xb8;
	[tilespmem:$0x8080] =	vst v63  }
0x165: {  	_ = 	snop  }
0x166: {  	[tilespmem:s25], [sflag:$0x1] =	stream.indirect_vreg.gather [hbm4b:s1+s3], $0x80, v3, vm0, $0xb8;
	[tilespmem:$0x8080] =	vst v63  }
0x167: {  	v3 =	vld [tilespmem:$0x60];
	_ =	sdelay $0x4  }
0x168: {  	v62 =	vshll.u32 v3, $0x1  }
0x169: {  	v3 =	vand.u32 $0x7, v3;
	v4 =	vand.u32 $0xFFFFFFF0, v62  }
0x16a: {  	v3 =	vor.u32 v3, v4  }
0x16b: {  	v4 =	vperm.xlane v3, v0;
	_ =	sdelay $0x1  }
0x16c: {  	v3 =	vperm.xlane v3, v2;
	v4 =	vadd.s32 v1, v4;
	_ =	sdelay $0x1  }
0x16d: {  	v3 =	vadd.s32 v1, v3;
	_ =	sdelay $0x2  }
0x16e: {  	[tilespmem:s26], [sflag:$0x1] =	stream.indirect_vreg.gather [hbm4b:s1+s3], $0x80, v4, vm0, $0xb8;
	[tilespmem:$0x8080] =	vst v63  }
0x16f: {  	_ = 	snop  }
0x170: {  	[tilespmem:s28], [sflag:$0x1] =	stream.indirect_vreg.gather [hbm4b:s1+s3], $0x80, v3, vm0, $0xb8;
	[tilespmem:$0x8080] =	vst v63  }
0x171: {  	v3 =	vld [tilespmem:$0x70];
	_ =	sdelay $0x4  }
0x172: {  	v63 =	vshll.u32 v3, $0x1  }
0x173: {  	v3 =	vand.u32 $0x7, v3;
	v4 =	vand.u32 $0xFFFFFFF0, v63  }
0x174: {  	v3 =	vor.u32 v3, v4  }
0x175: {  	v4 =	vperm.xlane v3, v0;
	_ =	sdelay $0x1  }
0x176: {  	v3 =	vperm.xlane v3, v2;
	v4 =	vadd.s32 v1, v4;
	_ =	sdelay $0x1  }
0x177: {  	v3 =	vadd.s32 v1, v3;
	_ =	sdelay $0x2  }
0x178: {  	[tilespmem:s29], [sflag:$0x1] =	stream.indirect_vreg.gather [hbm4b:s1+s3], $0x80, v4, vm0, $0xb8;
	[tilespmem:$0x8080] =	vst v63  }
0x179: {  	_ = 	snop  }
0x17a: {  	[tilespmem:s30], [sflag:$0x1] =	stream.indirect_vreg.gather [hbm4b:s1+s3], $0x80, v3, vm0, $0xb8;
	[tilespmem:$0x8080] =	vst v63  }
0x17b: {  	_ =	swait.ge [sflag:s31], $0x8000  }
0x17c: {  	p0 =	sne.s32 s12, $0x1;
	[sflag:s31] =	ssyncset.done $0x0  }
.Ltmp0:
0x17d: {  	[sflag:s31] =	ssyncadd.s32 $0xFFFF8000;
	(pc) =	sbr.rel @p0 .LBB2_1-.Ltmp0, $4  }
0x17e: {  	[hbm4b:s11+s3] =	stream.linear.scatter [tilespmem:s14], [sflag:$0x2], $0x8000, $0x38;
	[tilespmem:$0x8080] =	vst v63  }
0x17f: {  	_ =	swait.ge [sflag:s13], $0x8000  }
0x180: {  	[sflag:s13] =	ssyncset.done $0x0  }
0x181: {  	s12 =	sadd.s32 $0xFFFFFFFF, s12;
	[sflag:s13] =	ssyncadd.s32 $0xFFFF8000  }
0x182: {  	_ =	sfence.sel $0x180000  }
0x183: {  	[bflag:$0x0] =	sbarrier.arrive $0xFFFF  }
0x184: {  	p0 =	sne.s32 s2, $0x0;
	_ =	strace $0x90000047  }
0x185: {  	s0 =	sadd.s32 @!p0 $0x100000, s0;
	[bflag:$0x2] =	sbarrier.arrive $0xFFFF  }
0x186: {  	[sflag:s0] =	ssyncadd.tile.s32 @!p0 $0x1;
	_ =	shalt  }
.Lfunc_end2:
_tile_overlayer_lowered:
.L_overlay_start_2:
0x187: {  	(tag) =	ssettag $0x2  }
0x188: {  	s0 =	rddreg [dreg:$0x0];
	s2 =	stileid.u32  }
0x189: {  	s1 =	rddreg [dreg:$0x1];
	p0 =	sne.s32 s2, $0x0  }
0x18a: {  	s3 =	rddreg [dreg:$0x2];
	[bflag:$0x3] =	sbarrier.arrive $0xFFFF;
	s2 =	simm.s32 @!p0 $0x1C02  }
0x18b: {  	[timem:s3], [sflag:s2] =	dma.local @!p0 [hbm:s0], s1  }
0x18c: {  	s0 =	simm.s32 @!p0 $0x2  }
0x18d: {  	_ =	swait.ge @!p0 [sflag:s0], s1  }
0x18e: {  	s1 =	ssub.s32 @!p0 $0x0, s1;
	[sflag:s0] =	ssyncset.done @!p0 $0x0  }
0x18f: {  	[sflag:s0] =	ssyncadd.s32 @!p0 s1  }
0x190: {  	[bflag:$0x3] =	sbarrier.arrive $0xFFFF  }
0x191: {  	_ =	shalt  }

</sc_bundles>
